<compile_context>
chip_gen: v7x
topology: tpu7x:2x2x1
jax: 0.10.2.dev20260603
libtpu: 0.0.44.dev20260713+nightly
codegen_flags: <defaults>
</compile_context>

<pallas_src>
import functools

import jax
import jax.numpy as jnp
from jax import lax
from jax.experimental import pallas as pl
from jax.experimental.pallas import tpu as pltpu
from jax.experimental.pallas import tpu_sc as plsc

B = 1024
N = 1024
TOPO_DIM = 16
BIO_DIM = 112
K = 32
HIDDEN = 8


BB = 8


def _topk_body(topo_ref, wt_ref, idx_ref):
    i = pl.program_id(0)
    w = wt_ref[...]
    rows = []
    for b in range(BB):
        xb = topo_ref[b]
        rows.append(
            lax.dot_general(w, xb, (((1,), (1,)), ((), ())),
                            preferred_element_type=jnp.float32))
    sv = jnp.concatenate(rows, axis=0)
    iota_n = lax.broadcasted_iota(jnp.int32, (BB, N), 1)
    cols = []
    for _ in range(K):
        m = jnp.max(sv, axis=1, keepdims=True)
        am = jnp.min(jnp.where(sv == m, iota_n, N), axis=1, keepdims=True)
        cols.append(am)
        sv = jnp.where(iota_n == am, -jnp.inf, sv)
    idx = jnp.concatenate(cols, axis=1)
    gb = lax.broadcasted_iota(jnp.int32, (BB, K), 0) + i * BB
    idx_ref[...] = gb * N + idx


_topk_call = pl.pallas_call(
    _topk_body,
    grid=(B // BB,),
    in_specs=[
        pl.BlockSpec((BB, N, TOPO_DIM), lambda i: (i, 0, 0)),
        pl.BlockSpec((1, TOPO_DIM), lambda i: (0, 0)),
    ],
    out_specs=pl.BlockSpec((BB, K), lambda i: (i, 0)),
    out_shape=jax.ShapeDtypeStruct((B, K), jnp.int32),
)


NC = 2
NS = 16
NW = NC * NS
ROWS_PER_W = (B * K) // NW
CH = 128
NCH = ROWS_PER_W // CH

def _gather_body(topo_hbm, bio_hbm, idx_hbm, topo_out, bio_out,
                 idx0, idx1, t0, t1, b0, b1, st0, st1, sb0, sb1):
    wid = lax.axis_index("s") * NC + lax.axis_index("c")
    idxs = (idx0, idx1)
    ts = (t0, t1)
    bs = (b0, b1)
    sts = (st0, st1)
    sbs = (sb0, sb1)

    def issue(c):
        s = c % 2
        pltpu.sync_copy(idx_hbm.at[wid, c], idxs[s])
        ct = pltpu.async_copy(topo_hbm.at[idxs[s]], ts[s], sts[s])
        cb = pltpu.async_copy(bio_hbm.at[idxs[s]], bs[s], sbs[s])
        return ct, cb

    pend = {0: issue(0)}
    for c in range(NCH):
        if c + 1 < NCH:
            pend[c + 1] = issue(c + 1)
        ct, cb = pend.pop(c)
        ct.wait()
        cb.wait()
        s = c % 2
        base = wid * ROWS_PER_W + c * CH
        pltpu.sync_copy(ts[s], topo_out.at[pl.ds(base, CH)])
        pltpu.sync_copy(bs[s], bio_out.at[pl.ds(base, CH)])


@functools.cache
def _make_gather_call():
    mesh = plsc.VectorSubcoreMesh(core_axis_name="c", subcore_axis_name="s")
    return pl.kernel(
        _gather_body,
        mesh=mesh,
        compiler_params=pltpu.CompilerParams(use_tc_tiling_on_sc=False),
        out_type=[
            jax.ShapeDtypeStruct((B * K, TOPO_DIM), jnp.float32),
            jax.ShapeDtypeStruct((B * K, BIO_DIM), jnp.float32),
        ],
        scratch_types=[
            pltpu.VMEM((CH,), jnp.int32),
            pltpu.VMEM((CH,), jnp.int32),
            pltpu.VMEM((CH, TOPO_DIM), jnp.float32),
            pltpu.VMEM((CH, TOPO_DIM), jnp.float32),
            pltpu.VMEM((CH, BIO_DIM), jnp.float32),
            pltpu.VMEM((CH, BIO_DIM), jnp.float32),
            pltpu.SemaphoreType.DMA,
            pltpu.SemaphoreType.DMA,
            pltpu.SemaphoreType.DMA,
            pltpu.SemaphoreType.DMA,
        ],
    )




def _mlp_body(tg_ref, bg_ref, w1t_ref, w1b_ref, b1_ref, w2_ref, b2_ref,
              y_ref, score_ref, loss_ref):
    h = (jnp.dot(tg_ref[...], w1t_ref[...], preferred_element_type=jnp.float32)
         + jnp.dot(bg_ref[...], w1b_ref[...], preferred_element_type=jnp.float32)
         + b1_ref[...])
    h = jnp.maximum(h, 0.0)
    s = jnp.dot(h, w2_ref[...], preferred_element_type=jnp.float32) + b2_ref[...]
    score_ref[...] = s
    yf = y_ref[...]
    npos = jnp.sum(yf)
    pw = (jnp.float32(B) - npos) / npos
    ez = jnp.exp(-jnp.abs(s))
    log1pez = jnp.log(1.0 + ez)
    ls_pos = jnp.minimum(s, 0.0) - log1pez
    ls_neg = jnp.minimum(-s, 0.0) - log1pez
    l = -(pw * yf * ls_pos + (1.0 - yf) * ls_neg)
    loss_ref[...] = jnp.sum(l, axis=0, keepdims=True) * (1.0 / B)


_mlp_call = pl.pallas_call(
    _mlp_body,
    out_shape=[
        jax.ShapeDtypeStruct((B, 1), jnp.float32),
        jax.ShapeDtypeStruct((1, 1), jnp.float32),
    ],
)


def kernel(topo_feat, bio_feat, y, W_t, b_t, W1, b1, W2, b2):
    del b_t
    wt_row = W_t.reshape(1, TOPO_DIM)
    flat_idx = _topk_call(topo_feat, wt_row)
    idx3 = flat_idx.reshape(NW, NCH, CH)
    tg, bg = _make_gather_call()(topo_feat.reshape(B * N, TOPO_DIM),
                                 bio_feat.reshape(B * N, BIO_DIM), idx3)
    tg2 = tg.reshape(B, K * TOPO_DIM)
    bg2 = bg.reshape(B, K * BIO_DIM)
    w1r = W1.reshape(K, TOPO_DIM + BIO_DIM, HIDDEN)
    w1t = w1r[:, :TOPO_DIM, :].reshape(K * TOPO_DIM, HIDDEN)
    w1b = w1r[:, TOPO_DIM:, :].reshape(K * BIO_DIM, HIDDEN)
    score2, loss2 = _mlp_call(tg2, bg2, w1t, w1b, b1.reshape(1, HIDDEN),
                              W2, b2.reshape(1, 1),
                              y.astype(jnp.float32).reshape(B, 1))
    return (loss2.reshape(()), score2.reshape(B))

# --- scband reference (transcript-rebuilt; emitter-appended) ---
"""Pipeline reference for scband-my-sgnnmd-1778116460983 (READ-ONLY COPY).

The authoritative reference and input builder live on the scoring server;
editing this copy changes nothing except your own understanding.
"""

import jax, jax.numpy as jnp
import numpy as np

B = 1024
N = 1024
TOPO_DIM = 16
BIO_DIM = 112
K = 32
HIDDEN = 8


def setup_inputs(seed: int = 0) -> dict:
    key = jax.random.key(seed)
    ks = jax.random.split(key, 8)
    topo_feat = jax.random.normal(ks[0], (B, N, TOPO_DIM), dtype=jnp.float32)
    bio_feat = jax.random.normal(ks[1], (B, N, BIO_DIM), dtype=jnp.float32)
    y = jax.random.randint(ks[2], (B,), 0, 2, dtype=jnp.int32)
    d = TOPO_DIM + BIO_DIM
    W_t = jax.random.normal(ks[3], (TOPO_DIM, 1), dtype=jnp.float32) / np.sqrt(TOPO_DIM)
    b_t = jnp.zeros((1,), dtype=jnp.float32)
    W1 = jax.random.normal(ks[4], (K * d, HIDDEN), dtype=jnp.float32) / np.sqrt(K * d)
    b1 = jnp.zeros((HIDDEN,), dtype=jnp.float32)
    W2 = jax.random.normal(ks[5], (HIDDEN, 1), dtype=jnp.float32) / np.sqrt(HIDDEN)
    b2 = jnp.zeros((1,), dtype=jnp.float32)
    return {"topo_feat": topo_feat, "bio_feat": bio_feat, "y": y,
            "W_t": W_t, "b_t": b_t, "W1": W1, "b1": b1, "W2": W2, "b2": b2}


def reference(topo_feat, bio_feat, y, W_t, b_t, W1, b1, W2, b2):
    # SortPooling (batched over B subgraphs): transform -> topk -> index_select -> flatten
    sort_value = jnp.einsum('bnd,do->bno', topo_feat, W_t)[..., 0] + b_t[0]  # [B, N]
    _, top_k_index = jax.lax.top_k(sort_value, K)  # [B, K]
    concat_feat = jnp.concatenate([topo_feat, bio_feat], axis=-1)  # [B, N, d]
    sort_feat = jnp.take_along_axis(concat_feat, top_k_index[:, :, None], axis=1)  # [B, K, d]
    x = sort_feat.reshape(sort_feat.shape[0], -1)  # [B, K*d]  (edge_embedding)
    # Predictor: Linear -> ReLU -> Linear -> flatten
    h = jax.nn.relu(x @ W1 + b1)
    score = (h @ W2 + b2)[:, 0]  # [B]
    # compute_label_loss: BCEWithLogits with pos_weight = (#neg / #pos)
    yf = y.astype(jnp.float32)
    pos_weight = (yf == 0).sum().astype(jnp.float32) / (yf == 1).sum().astype(jnp.float32)
    loss = jnp.mean(-(pos_weight * yf * jax.nn.log_sigmoid(score)
                      + (1.0 - yf) * jax.nn.log_sigmoid(-score)))
    return (loss, score)

if __name__ == "__main__":
    import jax
    _d = setup_inputs()
    print(jax.jit(kernel)(*tuple(_d.values())))

</pallas_src>

<mosaic_0001>
#map = affine_map<(d0, d1) -> (0, 0)>
#map1 = affine_map<(d0, d1) -> (0, 0, 0)>
module attributes {stable_mosaic.version = 14 : i64} {
  func.func @_gather_body(%arg0: i32, %arg1: i32, %arg2: memref<1048576x16xf32, #tpu.memory_space<hbm>>, %arg3: memref<1048576x112xf32, #tpu.memory_space<hbm>>, %arg4: memref<32x8x128xi32, #tpu.memory_space<hbm>>, %arg5: memref<32768x16xf32, #tpu.memory_space<hbm>>, %arg6: memref<32768x112xf32, #tpu.memory_space<hbm>>, %arg7: memref<128xi32, #tpu.memory_space<vmem>>, %arg8: memref<128xi32, #tpu.memory_space<vmem>>, %arg9: memref<128x16xf32, #tpu.memory_space<vmem>>, %arg10: memref<128x16xf32, #tpu.memory_space<vmem>>, %arg11: memref<128x112xf32, #tpu.memory_space<vmem>>, %arg12: memref<128x112xf32, #tpu.memory_space<vmem>>, %arg13: memref<!tpu.dma_semaphore, #tpu.memory_space<semaphore_mem>>, %arg14: memref<!tpu.dma_semaphore, #tpu.memory_space<semaphore_mem>>, %arg15: memref<!tpu.dma_semaphore, #tpu.memory_space<semaphore_mem>>, %arg16: memref<!tpu.dma_semaphore, #tpu.memory_space<semaphore_mem>>) attributes {dimension_semantics = [#tpu.dimension_semantics<core_parallel>, #tpu.dimension_semantics<subcore_parallel>], iteration_bounds = array<i64: 2, 16>, scalar_prefetch = 0 : i64, scratch_operands = 10 : i64, tpu.core_type = #tpu.core_type<sc_vector_subcore>, window_params = [{transform_indices = #map}, {transform_indices = #map}, {transform_indices = #map1}, {transform_indices = #map}, {transform_indices = #map}]} {
    %mul3A = arith.constant 2 : i32
    %mul3A_0 = arith.muli %arg1, %mul3A : i32
    %add3A = arith.addi %mul3A_0, %arg0 : i32
    %run_scoped3A = arith.constant 0 : i32
    "tpu.region"() ({
      %run_scoped3A_134 = tpu.sem_alloc : memref<!tpu.dma_semaphore, #tpu.memory_space<semaphore_mem>>
      %dma_start3A_135 = arith.constant 0 : i32
      %dma_start3A_136 = tpu.memref_slice %arg4[%add3A, %run_scoped3A, %dma_start3A_135] : memref<32x8x128xi32, #tpu.memory_space<hbm>> -> memref<1x1x128xi32, #tpu.memory_space<hbm>>
      %dma_start3A_137 = tpu.memref_squeeze %dma_start3A_136 : memref<1x1x128xi32, #tpu.memory_space<hbm>> -> memref<128xi32, #tpu.memory_space<hbm>>
      %dma_start3A_138 = arith.constant 0 : i32
      %dma_start3A_139 = tpu.memref_slice %arg4[%add3A, %run_scoped3A, %dma_start3A_138] : memref<32x8x128xi32, #tpu.memory_space<hbm>> -> memref<1x1x128xi32, #tpu.memory_space<hbm>>
      %dma_start3A_140 = tpu.memref_squeeze %dma_start3A_139 : memref<1x1x128xi32, #tpu.memory_space<hbm>> -> memref<128xi32, #tpu.memory_space<hbm>>
      tpu.enqueue_dma source(%dma_start3A_140 : memref<128xi32, #tpu.memory_space<hbm>>) target(%arg7 : memref<128xi32, #tpu.memory_space<vmem>>) target_semaphore(%run_scoped3A_134 : memref<!tpu.dma_semaphore, #tpu.memory_space<semaphore_mem>>)
      %dma_wait3A_141 = arith.constant 0 : i32
      %dma_wait3A_142 = tpu.memref_slice %arg4[%add3A, %run_scoped3A, %dma_wait3A_141] : memref<32x8x128xi32, #tpu.memory_space<hbm>> -> memref<1x1x128xi32, #tpu.memory_space<hbm>>
      %dma_wait3A_143 = tpu.memref_squeeze %dma_wait3A_142 : memref<1x1x128xi32, #tpu.memory_space<hbm>> -> memref<128xi32, #tpu.memory_space<hbm>>
      %dma_wait3A_144 = arith.constant 0 : i32
      %dma_wait3A_145 = tpu.memref_slice %arg4[%add3A, %run_scoped3A, %dma_wait3A_144] : memref<32x8x128xi32, #tpu.memory_space<hbm>> -> memref<1x1x128xi32, #tpu.memory_space<hbm>>
      %dma_wait3A_146 = tpu.memref_squeeze %dma_wait3A_145 : memref<1x1x128xi32, #tpu.memory_space<hbm>> -> memref<128xi32, #tpu.memory_space<hbm>>
      tpu.wait_dma2 semaphore(%run_scoped3A_134 : memref<!tpu.dma_semaphore, #tpu.memory_space<semaphore_mem>>) src(%dma_wait3A_146 : memref<128xi32, #tpu.memory_space<hbm>>) dst(%arg7 : memref<128xi32, #tpu.memory_space<vmem>>)
      tpu.yield
    }) : () -> ()
    %dma_start3A = arith.constant 0 : i32
    %dma_start3A_1 = arith.constant 0 : i32
    %dma_start3A_2 = tpu.memref_slice %arg2[%dma_start3A, %dma_start3A_1] : memref<1048576x16xf32, #tpu.memory_space<hbm>> -> memref<1048576x16xf32, #tpu.memory_space<hbm>>
    tpu.enqueue_indirect_dma source(%dma_start3A_2 : memref<1048576x16xf32, #tpu.memory_space<hbm>>) target(%arg9 : memref<128x16xf32, #tpu.memory_space<vmem>>) offsets(%arg7 : memref<128xi32, #tpu.memory_space<vmem>>) semaphore(%arg13 : memref<!tpu.dma_semaphore, #tpu.memory_space<semaphore_mem>>)
    %dma_start3A_3 = arith.constant 0 : i32
    %dma_start3A_4 = arith.constant 0 : i32
    %dma_start3A_5 = tpu.memref_slice %arg3[%dma_start3A_3, %dma_start3A_4] : memref<1048576x112xf32, #tpu.memory_space<hbm>> -> memref<1048576x112xf32, #tpu.memory_space<hbm>>
    tpu.enqueue_indirect_dma source(%dma_start3A_5 : memref<1048576x112xf32, #tpu.memory_space<hbm>>) target(%arg11 : memref<128x112xf32, #tpu.memory_space<vmem>>) offsets(%arg7 : memref<128xi32, #tpu.memory_space<vmem>>) semaphore(%arg15 : memref<!tpu.dma_semaphore, #tpu.memory_space<semaphore_mem>>)
    %run_scoped3A_6 = arith.constant 1 : i32
    "tpu.region"() ({
      %run_scoped3A_134 = tpu.sem_alloc : memref<!tpu.dma_semaphore, #tpu.memory_space<semaphore_mem>>
      %dma_start3A_135 = arith.constant 0 : i32
      %dma_start3A_136 = tpu.memref_slice %arg4[%add3A, %run_scoped3A_6, %dma_start3A_135] : memref<32x8x128xi32, #tpu.memory_space<hbm>> -> memref<1x1x128xi32, #tpu.memory_space<hbm>>
      %dma_start3A_137 = tpu.memref_squeeze %dma_start3A_136 : memref<1x1x128xi32, #tpu.memory_space<hbm>> -> memref<128xi32, #tpu.memory_space<hbm>>
      %dma_start3A_138 = arith.constant 0 : i32
      %dma_start3A_139 = tpu.memref_slice %arg4[%add3A, %run_scoped3A_6, %dma_start3A_138] : memref<32x8x128xi32, #tpu.memory_space<hbm>> -> memref<1x1x128xi32, #tpu.memory_space<hbm>>
      %dma_start3A_140 = tpu.memref_squeeze %dma_start3A_139 : memref<1x1x128xi32, #tpu.memory_space<hbm>> -> memref<128xi32, #tpu.memory_space<hbm>>
      tpu.enqueue_dma source(%dma_start3A_140 : memref<128xi32, #tpu.memory_space<hbm>>) target(%arg8 : memref<128xi32, #tpu.memory_space<vmem>>) target_semaphore(%run_scoped3A_134 : memref<!tpu.dma_semaphore, #tpu.memory_space<semaphore_mem>>)
      %dma_wait3A_141 = arith.constant 0 : i32
      %dma_wait3A_142 = tpu.memref_slice %arg4[%add3A, %run_scoped3A_6, %dma_wait3A_141] : memref<32x8x128xi32, #tpu.memory_space<hbm>> -> memref<1x1x128xi32, #tpu.memory_space<hbm>>
      %dma_wait3A_143 = tpu.memref_squeeze %dma_wait3A_142 : memref<1x1x128xi32, #tpu.memory_space<hbm>> -> memref<128xi32, #tpu.memory_space<hbm>>
      %dma_wait3A_144 = arith.constant 0 : i32
      %dma_wait3A_145 = tpu.memref_slice %arg4[%add3A, %run_scoped3A_6, %dma_wait3A_144] : memref<32x8x128xi32, #tpu.memory_space<hbm>> -> memref<1x1x128xi32, #tpu.memory_space<hbm>>
      %dma_wait3A_146 = tpu.memref_squeeze %dma_wait3A_145 : memref<1x1x128xi32, #tpu.memory_space<hbm>> -> memref<128xi32, #tpu.memory_space<hbm>>
      tpu.wait_dma2 semaphore(%run_scoped3A_134 : memref<!tpu.dma_semaphore, #tpu.memory_space<semaphore_mem>>) src(%dma_wait3A_146 : memref<128xi32, #tpu.memory_space<hbm>>) dst(%arg8 : memref<128xi32, #tpu.memory_space<vmem>>)
      tpu.yield
    }) : () -> ()
    %dma_start3A_7 = arith.constant 0 : i32
    %dma_start3A_8 = arith.constant 0 : i32
    %dma_start3A_9 = tpu.memref_slice %arg2[%dma_start3A_7, %dma_start3A_8] : memref<1048576x16xf32, #tpu.memory_space<hbm>> -> memref<1048576x16xf32, #tpu.memory_space<hbm>>
    tpu.enqueue_indirect_dma source(%dma_start3A_9 : memref<1048576x16xf32, #tpu.memory_space<hbm>>) target(%arg10 : memref<128x16xf32, #tpu.memory_space<vmem>>) offsets(%arg8 : memref<128xi32, #tpu.memory_space<vmem>>) semaphore(%arg14 : memref<!tpu.dma_semaphore, #tpu.memory_space<semaphore_mem>>)
    %dma_start3A_10 = arith.constant 0 : i32
    %dma_start3A_11 = arith.constant 0 : i32
    %dma_start3A_12 = tpu.memref_slice %arg3[%dma_start3A_10, %dma_start3A_11] : memref<1048576x112xf32, #tpu.memory_space<hbm>> -> memref<1048576x112xf32, #tpu.memory_space<hbm>>
    tpu.enqueue_indirect_dma source(%dma_start3A_12 : memref<1048576x112xf32, #tpu.memory_space<hbm>>) target(%arg12 : memref<128x112xf32, #tpu.memory_space<vmem>>) offsets(%arg8 : memref<128xi32, #tpu.memory_space<vmem>>) semaphore(%arg16 : memref<!tpu.dma_semaphore, #tpu.memory_space<semaphore_mem>>)
    %dma_wait3A = arith.constant 0 : i32
    %dma_wait3A_13 = arith.constant 0 : i32
    %dma_wait3A_14 = tpu.memref_slice %arg2[%dma_wait3A, %dma_wait3A_13] : memref<1048576x16xf32, #tpu.memory_space<hbm>> -> memref<1048576x16xf32, #tpu.memory_space<hbm>>
    tpu.wait_indirect_dma semaphore(%arg13 : memref<!tpu.dma_semaphore, #tpu.memory_space<semaphore_mem>>) src(%dma_wait3A_14 : memref<1048576x16xf32, #tpu.memory_space<hbm>>) dst(%arg9 : memref<128x16xf32, #tpu.memory_space<vmem>>)
    %dma_wait3A_15 = arith.constant 0 : i32
    %dma_wait3A_16 = arith.constant 0 : i32
    %dma_wait3A_17 = tpu.memref_slice %arg3[%dma_wait3A_15, %dma_wait3A_16] : memref<1048576x112xf32, #tpu.memory_space<hbm>> -> memref<1048576x112xf32, #tpu.memory_space<hbm>>
    tpu.wait_indirect_dma semaphore(%arg15 : memref<!tpu.dma_semaphore, #tpu.memory_space<semaphore_mem>>) src(%dma_wait3A_17 : memref<1048576x112xf32, #tpu.memory_space<hbm>>) dst(%arg11 : memref<128x112xf32, #tpu.memory_space<vmem>>)
    %mul3A_18 = arith.constant 1024 : i32
    %mul3A_19 = arith.muli %add3A, %mul3A_18 : i32
    %add3A_20 = arith.constant 0 : i32
    %add3A_21 = arith.addi %mul3A_19, %add3A_20 : i32
    "tpu.region"() ({
      %run_scoped3A_134 = tpu.sem_alloc : memref<!tpu.dma_semaphore, #tpu.memory_space<semaphore_mem>>
      %dma_start3A_135 = arith.constant 0 : i32
      %dma_start3A_136 = tpu.memref_slice %arg5[%add3A_21, %dma_start3A_135] : memref<32768x16xf32, #tpu.memory_space<hbm>> -> memref<128x16xf32, #tpu.memory_space<hbm>>
      %dma_start3A_137 = arith.constant 0 : i32
      %dma_start3A_138 = tpu.memref_slice %arg5[%add3A_21, %dma_start3A_137] : memref<32768x16xf32, #tpu.memory_space<hbm>> -> memref<128x16xf32, #tpu.memory_space<hbm>>
      tpu.enqueue_dma source(%arg9 : memref<128x16xf32, #tpu.memory_space<vmem>>) target(%dma_start3A_138 : memref<128x16xf32, #tpu.memory_space<hbm>>) target_semaphore(%run_scoped3A_134 : memref<!tpu.dma_semaphore, #tpu.memory_space<semaphore_mem>>)
      %dma_wait3A_139 = arith.constant 0 : i32
      %dma_wait3A_140 = tpu.memref_slice %arg5[%add3A_21, %dma_wait3A_139] : memref<32768x16xf32, #tpu.memory_space<hbm>> -> memref<128x16xf32, #tpu.memory_space<hbm>>
      %dma_wait3A_141 = arith.constant 0 : i32
      %dma_wait3A_142 = tpu.memref_slice %arg5[%add3A_21, %dma_wait3A_141] : memref<32768x16xf32, #tpu.memory_space<hbm>> -> memref<128x16xf32, #tpu.memory_space<hbm>>
      tpu.wait_dma2 semaphore(%run_scoped3A_134 : memref<!tpu.dma_semaphore, #tpu.memory_space<semaphore_mem>>) src(%arg9 : memref<128x16xf32, #tpu.memory_space<vmem>>) dst(%dma_wait3A_142 : memref<128x16xf32, #tpu.memory_space<hbm>>)
      tpu.yield
    }) : () -> ()
    "tpu.region"() ({
      %run_scoped3A_134 = tpu.sem_alloc : memref<!tpu.dma_semaphore, #tpu.memory_space<semaphore_mem>>
      %dma_start3A_135 = arith.constant 0 : i32
      %dma_start3A_136 = tpu.memref_slice %arg6[%add3A_21, %dma_start3A_135] : memref<32768x112xf32, #tpu.memory_space<hbm>> -> memref<128x112xf32, #tpu.memory_space<hbm>>
      %dma_start3A_137 = arith.constant 0 : i32
      %dma_start3A_138 = tpu.memref_slice %arg6[%add3A_21, %dma_start3A_137] : memref<32768x112xf32, #tpu.memory_space<hbm>> -> memref<128x112xf32, #tpu.memory_space<hbm>>
      tpu.enqueue_dma source(%arg11 : memref<128x112xf32, #tpu.memory_space<vmem>>) target(%dma_start3A_138 : memref<128x112xf32, #tpu.memory_space<hbm>>) target_semaphore(%run_scoped3A_134 : memref<!tpu.dma_semaphore, #tpu.memory_space<semaphore_mem>>)
      %dma_wait3A_139 = arith.constant 0 : i32
      %dma_wait3A_140 = tpu.memref_slice %arg6[%add3A_21, %dma_wait3A_139] : memref<32768x112xf32, #tpu.memory_space<hbm>> -> memref<128x112xf32, #tpu.memory_space<hbm>>
      %dma_wait3A_141 = arith.constant 0 : i32
      %dma_wait3A_142 = tpu.memref_slice %arg6[%add3A_21, %dma_wait3A_141] : memref<32768x112xf32, #tpu.memory_space<hbm>> -> memref<128x112xf32, #tpu.memory_space<hbm>>
      tpu.wait_dma2 semaphore(%run_scoped3A_134 : memref<!tpu.dma_semaphore, #tpu.memory_space<semaphore_mem>>) src(%arg11 : memref<128x112xf32, #tpu.memory_space<vmem>>) dst(%dma_wait3A_142 : memref<128x112xf32, #tpu.memory_space<hbm>>)
      tpu.yield
    }) : () -> ()
    %run_scoped3A_22 = arith.constant 2 : i32
    "tpu.region"() ({
      %run_scoped3A_134 = tpu.sem_alloc : memref<!tpu.dma_semaphore, #tpu.memory_space<semaphore_mem>>
      %dma_start3A_135 = arith.constant 0 : i32
      %dma_start3A_136 = tpu.memref_slice %arg4[%add3A, %run_scoped3A_22, %dma_start3A_135] : memref<32x8x128xi32, #tpu.memory_space<hbm>> -> memref<1x1x128xi32, #tpu.memory_space<hbm>>
      %dma_start3A_137 = tpu.memref_squeeze %dma_start3A_136 : memref<1x1x128xi32, #tpu.memory_space<hbm>> -> memref<128xi32, #tpu.memory_space<hbm>>
      %dma_start3A_138 = arith.constant 0 : i32
      %dma_start3A_139 = tpu.memref_slice %arg4[%add3A, %run_scoped3A_22, %dma_start3A_138] : memref<32x8x128xi32, #tpu.memory_space<hbm>> -> memref<1x1x128xi32, #tpu.memory_space<hbm>>
      %dma_start3A_140 = tpu.memref_squeeze %dma_start3A_139 : memref<1x1x128xi32, #tpu.memory_space<hbm>> -> memref<128xi32, #tpu.memory_space<hbm>>
      tpu.enqueue_dma source(%dma_start3A_140 : memref<128xi32, #tpu.memory_space<hbm>>) target(%arg7 : memref<128xi32, #tpu.memory_space<vmem>>) target_semaphore(%run_scoped3A_134 : memref<!tpu.dma_semaphore, #tpu.memory_space<semaphore_mem>>)
      %dma_wait3A_141 = arith.constant 0 : i32
      %dma_wait3A_142 = tpu.memref_slice %arg4[%add3A, %run_scoped3A_22, %dma_wait3A_141] : memref<32x8x128xi32, #tpu.memory_space<hbm>> -> memref<1x1x128xi32, #tpu.memory_space<hbm>>
      %dma_wait3A_143 = tpu.memref_squeeze %dma_wait3A_142 : memref<1x1x128xi32, #tpu.memory_space<hbm>> -> memref<128xi32, #tpu.memory_space<hbm>>
      %dma_wait3A_144 = arith.constant 0 : i32
      %dma_wait3A_145 = tpu.memref_slice %arg4[%add3A, %run_scoped3A_22, %dma_wait3A_144] : memref<32x8x128xi32, #tpu.memory_space<hbm>> -> memref<1x1x128xi32, #tpu.memory_space<hbm>>
      %dma_wait3A_146 = tpu.memref_squeeze %dma_wait3A_145 : memref<1x1x128xi32, #tpu.memory_space<hbm>> -> memref<128xi32, #tpu.memory_space<hbm>>
      tpu.wait_dma2 semaphore(%run_scoped3A_134 : memref<!tpu.dma_semaphore, #tpu.memory_space<semaphore_mem>>) src(%dma_wait3A_146 : memref<128xi32, #tpu.memory_space<hbm>>) dst(%arg7 : memref<128xi32, #tpu.memory_space<vmem>>)
      tpu.yield
    }) : () -> ()
    %dma_start3A_23 = arith.constant 0 : i32
    %dma_start3A_24 = arith.constant 0 : i32
    %dma_start3A_25 = tpu.memref_slice %arg2[%dma_start3A_23, %dma_start3A_24] : memref<1048576x16xf32, #tpu.memory_space<hbm>> -> memref<1048576x16xf32, #tpu.memory_space<hbm>>
    tpu.enqueue_indirect_dma source(%dma_start3A_25 : memref<1048576x16xf32, #tpu.memory_space<hbm>>) target(%arg9 : memref<128x16xf32, #tpu.memory_space<vmem>>) offsets(%arg7 : memref<128xi32, #tpu.memory_space<vmem>>) semaphore(%arg13 : memref<!tpu.dma_semaphore, #tpu.memory_space<semaphore_mem>>)
    %dma_start3A_26 = arith.constant 0 : i32
    %dma_start3A_27 = arith.constant 0 : i32
    %dma_start3A_28 = tpu.memref_slice %arg3[%dma_start3A_26, %dma_start3A_27] : memref<1048576x112xf32, #tpu.memory_space<hbm>> -> memref<1048576x112xf32, #tpu.memory_space<hbm>>
    tpu.enqueue_indirect_dma source(%dma_start3A_28 : memref<1048576x112xf32, #tpu.memory_space<hbm>>) target(%arg11 : memref<128x112xf32, #tpu.memory_space<vmem>>) offsets(%arg7 : memref<128xi32, #tpu.memory_space<vmem>>) semaphore(%arg15 : memref<!tpu.dma_semaphore, #tpu.memory_space<semaphore_mem>>)
    %dma_wait3A_29 = arith.constant 0 : i32
    %dma_wait3A_30 = arith.constant 0 : i32
    %dma_wait3A_31 = tpu.memref_slice %arg2[%dma_wait3A_29, %dma_wait3A_30] : memref<1048576x16xf32, #tpu.memory_space<hbm>> -> memref<1048576x16xf32, #tpu.memory_space<hbm>>
    tpu.wait_indirect_dma semaphore(%arg14 : memref<!tpu.dma_semaphore, #tpu.memory_space<semaphore_mem>>) src(%dma_wait3A_31 : memref<1048576x16xf32, #tpu.memory_space<hbm>>) dst(%arg10 : memref<128x16xf32, #tpu.memory_space<vmem>>)
    %dma_wait3A_32 = arith.constant 0 : i32
    %dma_wait3A_33 = arith.constant 0 : i32
    %dma_wait3A_34 = tpu.memref_slice %arg3[%dma_wait3A_32, %dma_wait3A_33] : memref<1048576x112xf32, #tpu.memory_space<hbm>> -> memref<1048576x112xf32, #tpu.memory_space<hbm>>
    tpu.wait_indirect_dma semaphore(%arg16 : memref<!tpu.dma_semaphore, #tpu.memory_space<semaphore_mem>>) src(%dma_wait3A_34 : memref<1048576x112xf32, #tpu.memory_space<hbm>>) dst(%arg12 : memref<128x112xf32, #tpu.memory_space<vmem>>)
    %mul3A_35 = arith.constant 1024 : i32
    %mul3A_36 = arith.muli %add3A, %mul3A_35 : i32
    %add3A_37 = arith.constant 128 : i32
    %add3A_38 = arith.addi %mul3A_36, %add3A_37 : i32
    "tpu.region"() ({
      %run_scoped3A_134 = tpu.sem_alloc : memref<!tpu.dma_semaphore, #tpu.memory_space<semaphore_mem>>
      %dma_start3A_135 = arith.constant 0 : i32
      %dma_start3A_136 = tpu.memref_slice %arg5[%add3A_38, %dma_start3A_135] : memref<32768x16xf32, #tpu.memory_space<hbm>> -> memref<128x16xf32, #tpu.memory_space<hbm>>
      %dma_start3A_137 = arith.constant 0 : i32
      %dma_start3A_138 = tpu.memref_slice %arg5[%add3A_38, %dma_start3A_137] : memref<32768x16xf32, #tpu.memory_space<hbm>> -> memref<128x16xf32, #tpu.memory_space<hbm>>
      tpu.enqueue_dma source(%arg10 : memref<128x16xf32, #tpu.memory_space<vmem>>) target(%dma_start3A_138 : memref<128x16xf32, #tpu.memory_space<hbm>>) target_semaphore(%run_scoped3A_134 : memref<!tpu.dma_semaphore, #tpu.memory_space<semaphore_mem>>)
      %dma_wait3A_139 = arith.constant 0 : i32
      %dma_wait3A_140 = tpu.memref_slice %arg5[%add3A_38, %dma_wait3A_139] : memref<32768x16xf32, #tpu.memory_space<hbm>> -> memref<128x16xf32, #tpu.memory_space<hbm>>
      %dma_wait3A_141 = arith.constant 0 : i32
      %dma_wait3A_142 = tpu.memref_slice %arg5[%add3A_38, %dma_wait3A_141] : memref<32768x16xf32, #tpu.memory_space<hbm>> -> memref<128x16xf32, #tpu.memory_space<hbm>>
      tpu.wait_dma2 semaphore(%run_scoped3A_134 : memref<!tpu.dma_semaphore, #tpu.memory_space<semaphore_mem>>) src(%arg10 : memref<128x16xf32, #tpu.memory_space<vmem>>) dst(%dma_wait3A_142 : memref<128x16xf32, #tpu.memory_space<hbm>>)
      tpu.yield
    }) : () -> ()
    "tpu.region"() ({
      %run_scoped3A_134 = tpu.sem_alloc : memref<!tpu.dma_semaphore, #tpu.memory_space<semaphore_mem>>
      %dma_start3A_135 = arith.constant 0 : i32
      %dma_start3A_136 = tpu.memref_slice %arg6[%add3A_38, %dma_start3A_135] : memref<32768x112xf32, #tpu.memory_space<hbm>> -> memref<128x112xf32, #tpu.memory_space<hbm>>
      %dma_start3A_137 = arith.constant 0 : i32
      %dma_start3A_138 = tpu.memref_slice %arg6[%add3A_38, %dma_start3A_137] : memref<32768x112xf32, #tpu.memory_space<hbm>> -> memref<128x112xf32, #tpu.memory_space<hbm>>
      tpu.enqueue_dma source(%arg12 : memref<128x112xf32, #tpu.memory_space<vmem>>) target(%dma_start3A_138 : memref<128x112xf32, #tpu.memory_space<hbm>>) target_semaphore(%run_scoped3A_134 : memref<!tpu.dma_semaphore, #tpu.memory_space<semaphore_mem>>)
      %dma_wait3A_139 = arith.constant 0 : i32
      %dma_wait3A_140 = tpu.memref_slice %arg6[%add3A_38, %dma_wait3A_139] : memref<32768x112xf32, #tpu.memory_space<hbm>> -> memref<128x112xf32, #tpu.memory_space<hbm>>
      %dma_wait3A_141 = arith.constant 0 : i32
      %dma_wait3A_142 = tpu.memref_slice %arg6[%add3A_38, %dma_wait3A_141] : memref<32768x112xf32, #tpu.memory_space<hbm>> -> memref<128x112xf32, #tpu.memory_space<hbm>>
      tpu.wait_dma2 semaphore(%run_scoped3A_134 : memref<!tpu.dma_semaphore, #tpu.memory_space<semaphore_mem>>) src(%arg12 : memref<128x112xf32, #tpu.memory_space<vmem>>) dst(%dma_wait3A_142 : memref<128x112xf32, #tpu.memory_space<hbm>>)
      tpu.yield
    }) : () -> ()
    %run_scoped3A_39 = arith.constant 3 : i32
    "tpu.region"() ({
      %run_scoped3A_134 = tpu.sem_alloc : memref<!tpu.dma_semaphore, #tpu.memory_space<semaphore_mem>>
      %dma_start3A_135 = arith.constant 0 : i32
      %dma_start3A_136 = tpu.memref_slice %arg4[%add3A, %run_scoped3A_39, %dma_start3A_135] : memref<32x8x128xi32, #tpu.memory_space<hbm>> -> memref<1x1x128xi32, #tpu.memory_space<hbm>>
      %dma_start3A_137 = tpu.memref_squeeze %dma_start3A_136 : memref<1x1x128xi32, #tpu.memory_space<hbm>> -> memref<128xi32, #tpu.memory_space<hbm>>
      %dma_start3A_138 = arith.constant 0 : i32
      %dma_start3A_139 = tpu.memref_slice %arg4[%add3A, %run_scoped3A_39, %dma_start3A_138] : memref<32x8x128xi32, #tpu.memory_space<hbm>> -> memref<1x1x128xi32, #tpu.memory_space<hbm>>
      %dma_start3A_140 = tpu.memref_squeeze %dma_start3A_139 : memref<1x1x128xi32, #tpu.memory_space<hbm>> -> memref<128xi32, #tpu.memory_space<hbm>>
      tpu.enqueue_dma source(%dma_start3A_140 : memref<128xi32, #tpu.memory_space<hbm>>) target(%arg8 : memref<128xi32, #tpu.memory_space<vmem>>) target_semaphore(%run_scoped3A_134 : memref<!tpu.dma_semaphore, #tpu.memory_space<semaphore_mem>>)
      %dma_wait3A_141 = arith.constant 0 : i32
      %dma_wait3A_142 = tpu.memref_slice %arg4[%add3A, %run_scoped3A_39, %dma_wait3A_141] : memref<32x8x128xi32, #tpu.memory_space<hbm>> -> memref<1x1x128xi32, #tpu.memory_space<hbm>>
      %dma_wait3A_143 = tpu.memref_squeeze %dma_wait3A_142 : memref<1x1x128xi32, #tpu.memory_space<hbm>> -> memref<128xi32, #tpu.memory_space<hbm>>
      %dma_wait3A_144 = arith.constant 0 : i32
      %dma_wait3A_145 = tpu.memref_slice %arg4[%add3A, %run_scoped3A_39, %dma_wait3A_144] : memref<32x8x128xi32, #tpu.memory_space<hbm>> -> memref<1x1x128xi32, #tpu.memory_space<hbm>>
      %dma_wait3A_146 = tpu.memref_squeeze %dma_wait3A_145 : memref<1x1x128xi32, #tpu.memory_space<hbm>> -> memref<128xi32, #tpu.memory_space<hbm>>
      tpu.wait_dma2 semaphore(%run_scoped3A_134 : memref<!tpu.dma_semaphore, #tpu.memory_space<semaphore_mem>>) src(%dma_wait3A_146 : memref<128xi32, #tpu.memory_space<hbm>>) dst(%arg8 : memref<128xi32, #tpu.memory_space<vmem>>)
      tpu.yield
    }) : () -> ()
    %dma_start3A_40 = arith.constant 0 : i32
    %dma_start3A_41 = arith.constant 0 : i32
    %dma_start3A_42 = tpu.memref_slice %arg2[%dma_start3A_40, %dma_start3A_41] : memref<1048576x16xf32, #tpu.memory_space<hbm>> -> memref<1048576x16xf32, #tpu.memory_space<hbm>>
    tpu.enqueue_indirect_dma source(%dma_start3A_42 : memref<1048576x16xf32, #tpu.memory_space<hbm>>) target(%arg10 : memref<128x16xf32, #tpu.memory_space<vmem>>) offsets(%arg8 : memref<128xi32, #tpu.memory_space<vmem>>) semaphore(%arg14 : memref<!tpu.dma_semaphore, #tpu.memory_space<semaphore_mem>>)
    %dma_start3A_43 = arith.constant 0 : i32
    %dma_start3A_44 = arith.constant 0 : i32
    %dma_start3A_45 = tpu.memref_slice %arg3[%dma_start3A_43, %dma_start3A_44] : memref<1048576x112xf32, #tpu.memory_space<hbm>> -> memref<1048576x112xf32, #tpu.memory_space<hbm>>
    tpu.enqueue_indirect_dma source(%dma_start3A_45 : memref<1048576x112xf32, #tpu.memory_space<hbm>>) target(%arg12 : memref<128x112xf32, #tpu.memory_space<vmem>>) offsets(%arg8 : memref<128xi32, #tpu.memory_space<vmem>>) semaphore(%arg16 : memref<!tpu.dma_semaphore, #tpu.memory_space<semaphore_mem>>)
    %dma_wait3A_46 = arith.constant 0 : i32
    %dma_wait3A_47 = arith.constant 0 : i32
    %dma_wait3A_48 = tpu.memref_slice %arg2[%dma_wait3A_46, %dma_wait3A_47] : memref<1048576x16xf32, #tpu.memory_space<hbm>> -> memref<1048576x16xf32, #tpu.memory_space<hbm>>
    tpu.wait_indirect_dma semaphore(%arg13 : memref<!tpu.dma_semaphore, #tpu.memory_space<semaphore_mem>>) src(%dma_wait3A_48 : memref<1048576x16xf32, #tpu.memory_space<hbm>>) dst(%arg9 : memref<128x16xf32, #tpu.memory_space<vmem>>)
    %dma_wait3A_49 = arith.constant 0 : i32
    %dma_wait3A_50 = arith.constant 0 : i32
    %dma_wait3A_51 = tpu.memref_slice %arg3[%dma_wait3A_49, %dma_wait3A_50] : memref<1048576x112xf32, #tpu.memory_space<hbm>> -> memref<1048576x112xf32, #tpu.memory_space<hbm>>
    tpu.wait_indirect_dma semaphore(%arg15 : memref<!tpu.dma_semaphore, #tpu.memory_space<semaphore_mem>>) src(%dma_wait3A_51 : memref<1048576x112xf32, #tpu.memory_space<hbm>>) dst(%arg11 : memref<128x112xf32, #tpu.memory_space<vmem>>)
    %mul3A_52 = arith.constant 1024 : i32
    %mul3A_53 = arith.muli %add3A, %mul3A_52 : i32
    %add3A_54 = arith.constant 256 : i32
    %add3A_55 = arith.addi %mul3A_53, %add3A_54 : i32
    "tpu.region"() ({
      %run_scoped3A_134 = tpu.sem_alloc : memref<!tpu.dma_semaphore, #tpu.memory_space<semaphore_mem>>
      %dma_start3A_135 = arith.constant 0 : i32
      %dma_start3A_136 = tpu.memref_slice %arg5[%add3A_55, %dma_start3A_135] : memref<32768x16xf32, #tpu.memory_space<hbm>> -> memref<128x16xf32, #tpu.memory_space<hbm>>
      %dma_start3A_137 = arith.constant 0 : i32
      %dma_start3A_138 = tpu.memref_slice %arg5[%add3A_55, %dma_start3A_137] : memref<32768x16xf32, #tpu.memory_space<hbm>> -> memref<128x16xf32, #tpu.memory_space<hbm>>
      tpu.enqueue_dma source(%arg9 : memref<128x16xf32, #tpu.memory_space<vmem>>) target(%dma_start3A_138 : memref<128x16xf32, #tpu.memory_space<hbm>>) target_semaphore(%run_scoped3A_134 : memref<!tpu.dma_semaphore, #tpu.memory_space<semaphore_mem>>)
      %dma_wait3A_139 = arith.constant 0 : i32
      %dma_wait3A_140 = tpu.memref_slice %arg5[%add3A_55, %dma_wait3A_139] : memref<32768x16xf32, #tpu.memory_space<hbm>> -> memref<128x16xf32, #tpu.memory_space<hbm>>
      %dma_wait3A_141 = arith.constant 0 : i32
      %dma_wait3A_142 = tpu.memref_slice %arg5[%add3A_55, %dma_wait3A_141] : memref<32768x16xf32, #tpu.memory_space<hbm>> -> memref<128x16xf32, #tpu.memory_space<hbm>>
      tpu.wait_dma2 semaphore(%run_scoped3A_134 : memref<!tpu.dma_semaphore, #tpu.memory_space<semaphore_mem>>) src(%arg9 : memref<128x16xf32, #tpu.memory_space<vmem>>) dst(%dma_wait3A_142 : memref<128x16xf32, #tpu.memory_space<hbm>>)
      tpu.yield
    }) : () -> ()
    "tpu.region"() ({
      %run_scoped3A_134 = tpu.sem_alloc : memref<!tpu.dma_semaphore, #tpu.memory_space<semaphore_mem>>
      %dma_start3A_135 = arith.constant 0 : i32
      %dma_start3A_136 = tpu.memref_slice %arg6[%add3A_55, %dma_start3A_135] : memref<32768x112xf32, #tpu.memory_space<hbm>> -> memref<128x112xf32, #tpu.memory_space<hbm>>
      %dma_start3A_137 = arith.constant 0 : i32
      %dma_start3A_138 = tpu.memref_slice %arg6[%add3A_55, %dma_start3A_137] : memref<32768x112xf32, #tpu.memory_space<hbm>> -> memref<128x112xf32, #tpu.memory_space<hbm>>
      tpu.enqueue_dma source(%arg11 : memref<128x112xf32, #tpu.memory_space<vmem>>) target(%dma_start3A_138 : memref<128x112xf32, #tpu.memory_space<hbm>>) target_semaphore(%run_scoped3A_134 : memref<!tpu.dma_semaphore, #tpu.memory_space<semaphore_mem>>)
      %dma_wait3A_139 = arith.constant 0 : i32
      %dma_wait3A_140 = tpu.memref_slice %arg6[%add3A_55, %dma_wait3A_139] : memref<32768x112xf32, #tpu.memory_space<hbm>> -> memref<128x112xf32, #tpu.memory_space<hbm>>
      %dma_wait3A_141 = arith.constant 0 : i32
      %dma_wait3A_142 = tpu.memref_slice %arg6[%add3A_55, %dma_wait3A_141] : memref<32768x112xf32, #tpu.memory_space<hbm>> -> memref<128x112xf32, #tpu.memory_space<hbm>>
      tpu.wait_dma2 semaphore(%run_scoped3A_134 : memref<!tpu.dma_semaphore, #tpu.memory_space<semaphore_mem>>) src(%arg11 : memref<128x112xf32, #tpu.memory_space<vmem>>) dst(%dma_wait3A_142 : memref<128x112xf32, #tpu.memory_space<hbm>>)
      tpu.yield
    }) : () -> ()
    %run_scoped3A_56 = arith.constant 4 : i32
    "tpu.region"() ({
      %run_scoped3A_134 = tpu.sem_alloc : memref<!tpu.dma_semaphore, #tpu.memory_space<semaphore_mem>>
      %dma_start3A_135 = arith.constant 0 : i32
      %dma_start3A_136 = tpu.memref_slice %arg4[%add3A, %run_scoped3A_56, %dma_start3A_135] : memref<32x8x128xi32, #tpu.memory_space<hbm>> -> memref<1x1x128xi32, #tpu.memory_space<hbm>>
      %dma_start3A_137 = tpu.memref_squeeze %dma_start3A_136 : memref<1x1x128xi32, #tpu.memory_space<hbm>> -> memref<128xi32, #tpu.memory_space<hbm>>
      %dma_start3A_138 = arith.constant 0 : i32
      %dma_start3A_139 = tpu.memref_slice %arg4[%add3A, %run_scoped3A_56, %dma_start3A_138] : memref<32x8x128xi32, #tpu.memory_space<hbm>> -> memref<1x1x128xi32, #tpu.memory_space<hbm>>
      %dma_start3A_140 = tpu.memref_squeeze %dma_start3A_139 : memref<1x1x128xi32, #tpu.memory_space<hbm>> -> memref<128xi32, #tpu.memory_space<hbm>>
      tpu.enqueue_dma source(%dma_start3A_140 : memref<128xi32, #tpu.memory_space<hbm>>) target(%arg7 : memref<128xi32, #tpu.memory_space<vmem>>) target_semaphore(%run_scoped3A_134 : memref<!tpu.dma_semaphore, #tpu.memory_space<semaphore_mem>>)
      %dma_wait3A_141 = arith.constant 0 : i32
      %dma_wait3A_142 = tpu.memref_slice %arg4[%add3A, %run_scoped3A_56, %dma_wait3A_141] : memref<32x8x128xi32, #tpu.memory_space<hbm>> -> memref<1x1x128xi32, #tpu.memory_space<hbm>>
      %dma_wait3A_143 = tpu.memref_squeeze %dma_wait3A_142 : memref<1x1x128xi32, #tpu.memory_space<hbm>> -> memref<128xi32, #tpu.memory_space<hbm>>
      %dma_wait3A_144 = arith.constant 0 : i32
      %dma_wait3A_145 = tpu.memref_slice %arg4[%add3A, %run_scoped3A_56, %dma_wait3A_144] : memref<32x8x128xi32, #tpu.memory_space<hbm>> -> memref<1x1x128xi32, #tpu.memory_space<hbm>>
      %dma_wait3A_146 = tpu.memref_squeeze %dma_wait3A_145 : memref<1x1x128xi32, #tpu.memory_space<hbm>> -> memref<128xi32, #tpu.memory_space<hbm>>
      tpu.wait_dma2 semaphore(%run_scoped3A_134 : memref<!tpu.dma_semaphore, #tpu.memory_space<semaphore_mem>>) src(%dma_wait3A_146 : memref<128xi32, #tpu.memory_space<hbm>>) dst(%arg7 : memref<128xi32, #tpu.memory_space<vmem>>)
      tpu.yield
    }) : () -> ()
    %dma_start3A_57 = arith.constant 0 : i32
    %dma_start3A_58 = arith.constant 0 : i32
    %dma_start3A_59 = tpu.memref_slice %arg2[%dma_start3A_57, %dma_start3A_58] : memref<1048576x16xf32, #tpu.memory_space<hbm>> -> memref<1048576x16xf32, #tpu.memory_space<hbm>>
    tpu.enqueue_indirect_dma source(%dma_start3A_59 : memref<1048576x16xf32, #tpu.memory_space<hbm>>) target(%arg9 : memref<128x16xf32, #tpu.memory_space<vmem>>) offsets(%arg7 : memref<128xi32, #tpu.memory_space<vmem>>) semaphore(%arg13 : memref<!tpu.dma_semaphore, #tpu.memory_space<semaphore_mem>>)
    %dma_start3A_60 = arith.constant 0 : i32
    %dma_start3A_61 = arith.constant 0 : i32
    %dma_start3A_62 = tpu.memref_slice %arg3[%dma_start3A_60, %dma_start3A_61] : memref<1048576x112xf32, #tpu.memory_space<hbm>> -> memref<1048576x112xf32, #tpu.memory_space<hbm>>
    tpu.enqueue_indirect_dma source(%dma_start3A_62 : memref<1048576x112xf32, #tpu.memory_space<hbm>>) target(%arg11 : memref<128x112xf32, #tpu.memory_space<vmem>>) offsets(%arg7 : memref<128xi32, #tpu.memory_space<vmem>>) semaphore(%arg15 : memref<!tpu.dma_semaphore, #tpu.memory_space<semaphore_mem>>)
    %dma_wait3A_63 = arith.constant 0 : i32
    %dma_wait3A_64 = arith.constant 0 : i32
    %dma_wait3A_65 = tpu.memref_slice %arg2[%dma_wait3A_63, %dma_wait3A_64] : memref<1048576x16xf32, #tpu.memory_space<hbm>> -> memref<1048576x16xf32, #tpu.memory_space<hbm>>
    tpu.wait_indirect_dma semaphore(%arg14 : memref<!tpu.dma_semaphore, #tpu.memory_space<semaphore_mem>>) src(%dma_wait3A_65 : memref<1048576x16xf32, #tpu.memory_space<hbm>>) dst(%arg10 : memref<128x16xf32, #tpu.memory_space<vmem>>)
    %dma_wait3A_66 = arith.constant 0 : i32
    %dma_wait3A_67 = arith.constant 0 : i32
    %dma_wait3A_68 = tpu.memref_slice %arg3[%dma_wait3A_66, %dma_wait3A_67] : memref<1048576x112xf32, #tpu.memory_space<hbm>> -> memref<1048576x112xf32, #tpu.memory_space<hbm>>
    tpu.wait_indirect_dma semaphore(%arg16 : memref<!tpu.dma_semaphore, #tpu.memory_space<semaphore_mem>>) src(%dma_wait3A_68 : memref<1048576x112xf32, #tpu.memory_space<hbm>>) dst(%arg12 : memref<128x112xf32, #tpu.memory_space<vmem>>)
    %mul3A_69 = arith.constant 1024 : i32
    %mul3A_70 = arith.muli %add3A, %mul3A_69 : i32
    %add3A_71 = arith.constant 384 : i32
    %add3A_72 = arith.addi %mul3A_70, %add3A_71 : i32
    "tpu.region"() ({
      %run_scoped3A_134 = tpu.sem_alloc : memref<!tpu.dma_semaphore, #tpu.memory_space<semaphore_mem>>
      %dma_start3A_135 = arith.constant 0 : i32
      %dma_start3A_136 = tpu.memref_slice %arg5[%add3A_72, %dma_start3A_135] : memref<32768x16xf32, #tpu.memory_space<hbm>> -> memref<128x16xf32, #tpu.memory_space<hbm>>
      %dma_start3A_137 = arith.constant 0 : i32
      %dma_start3A_138 = tpu.memref_slice %arg5[%add3A_72, %dma_start3A_137] : memref<32768x16xf32, #tpu.memory_space<hbm>> -> memref<128x16xf32, #tpu.memory_space<hbm>>
      tpu.enqueue_dma source(%arg10 : memref<128x16xf32, #tpu.memory_space<vmem>>) target(%dma_start3A_138 : memref<128x16xf32, #tpu.memory_space<hbm>>) target_semaphore(%run_scoped3A_134 : memref<!tpu.dma_semaphore, #tpu.memory_space<semaphore_mem>>)
      %dma_wait3A_139 = arith.constant 0 : i32
      %dma_wait3A_140 = tpu.memref_slice %arg5[%add3A_72, %dma_wait3A_139] : memref<32768x16xf32, #tpu.memory_space<hbm>> -> memref<128x16xf32, #tpu.memory_space<hbm>>
      %dma_wait3A_141 = arith.constant 0 : i32
      %dma_wait3A_142 = tpu.memref_slice %arg5[%add3A_72, %dma_wait3A_141] : memref<32768x16xf32, #tpu.memory_space<hbm>> -> memref<128x16xf32, #tpu.memory_space<hbm>>
      tpu.wait_dma2 semaphore(%run_scoped3A_134 : memref<!tpu.dma_semaphore, #tpu.memory_space<semaphore_mem>>) src(%arg10 : memref<128x16xf32, #tpu.memory_space<vmem>>) dst(%dma_wait3A_142 : memref<128x16xf32, #tpu.memory_space<hbm>>)
      tpu.yield
    }) : () -> ()
    "tpu.region"() ({
      %run_scoped3A_134 = tpu.sem_alloc : memref<!tpu.dma_semaphore, #tpu.memory_space<semaphore_mem>>
      %dma_start3A_135 = arith.constant 0 : i32
      %dma_start3A_136 = tpu.memref_slice %arg6[%add3A_72, %dma_start3A_135] : memref<32768x112xf32, #tpu.memory_space<hbm>> -> memref<128x112xf32, #tpu.memory_space<hbm>>
      %dma_start3A_137 = arith.constant 0 : i32
      %dma_start3A_138 = tpu.memref_slice %arg6[%add3A_72, %dma_start3A_137] : memref<32768x112xf32, #tpu.memory_space<hbm>> -> memref<128x112xf32, #tpu.memory_space<hbm>>
      tpu.enqueue_dma source(%arg12 : memref<128x112xf32, #tpu.memory_space<vmem>>) target(%dma_start3A_138 : memref<128x112xf32, #tpu.memory_space<hbm>>) target_semaphore(%run_scoped3A_134 : memref<!tpu.dma_semaphore, #tpu.memory_space<semaphore_mem>>)
      %dma_wait3A_139 = arith.constant 0 : i32
      %dma_wait3A_140 = tpu.memref_slice %arg6[%add3A_72, %dma_wait3A_139] : memref<32768x112xf32, #tpu.memory_space<hbm>> -> memref<128x112xf32, #tpu.memory_space<hbm>>
      %dma_wait3A_141 = arith.constant 0 : i32
      %dma_wait3A_142 = tpu.memref_slice %arg6[%add3A_72, %dma_wait3A_141] : memref<32768x112xf32, #tpu.memory_space<hbm>> -> memref<128x112xf32, #tpu.memory_space<hbm>>
      tpu.wait_dma2 semaphore(%run_scoped3A_134 : memref<!tpu.dma_semaphore, #tpu.memory_space<semaphore_mem>>) src(%arg12 : memref<128x112xf32, #tpu.memory_space<vmem>>) dst(%dma_wait3A_142 : memref<128x112xf32, #tpu.memory_space<hbm>>)
      tpu.yield
    }) : () -> ()
    %run_scoped3A_73 = arith.constant 5 : i32
    "tpu.region"() ({
      %run_scoped3A_134 = tpu.sem_alloc : memref<!tpu.dma_semaphore, #tpu.memory_space<semaphore_mem>>
      %dma_start3A_135 = arith.constant 0 : i32
      %dma_start3A_136 = tpu.memref_slice %arg4[%add3A, %run_scoped3A_73, %dma_start3A_135] : memref<32x8x128xi32, #tpu.memory_space<hbm>> -> memref<1x1x128xi32, #tpu.memory_space<hbm>>
      %dma_start3A_137 = tpu.memref_squeeze %dma_start3A_136 : memref<1x1x128xi32, #tpu.memory_space<hbm>> -> memref<128xi32, #tpu.memory_space<hbm>>
      %dma_start3A_138 = arith.constant 0 : i32
      %dma_start3A_139 = tpu.memref_slice %arg4[%add3A, %run_scoped3A_73, %dma_start3A_138] : memref<32x8x128xi32, #tpu.memory_space<hbm>> -> memref<1x1x128xi32, #tpu.memory_space<hbm>>
      %dma_start3A_140 = tpu.memref_squeeze %dma_start3A_139 : memref<1x1x128xi32, #tpu.memory_space<hbm>> -> memref<128xi32, #tpu.memory_space<hbm>>
      tpu.enqueue_dma source(%dma_start3A_140 : memref<128xi32, #tpu.memory_space<hbm>>) target(%arg8 : memref<128xi32, #tpu.memory_space<vmem>>) target_semaphore(%run_scoped3A_134 : memref<!tpu.dma_semaphore, #tpu.memory_space<semaphore_mem>>)
      %dma_wait3A_141 = arith.constant 0 : i32
      %dma_wait3A_142 = tpu.memref_slice %arg4[%add3A, %run_scoped3A_73, %dma_wait3A_141] : memref<32x8x128xi32, #tpu.memory_space<hbm>> -> memref<1x1x128xi32, #tpu.memory_space<hbm>>
      %dma_wait3A_143 = tpu.memref_squeeze %dma_wait3A_142 : memref<1x1x128xi32, #tpu.memory_space<hbm>> -> memref<128xi32, #tpu.memory_space<hbm>>
      %dma_wait3A_144 = arith.constant 0 : i32
      %dma_wait3A_145 = tpu.memref_slice %arg4[%add3A, %run_scoped3A_73, %dma_wait3A_144] : memref<32x8x128xi32, #tpu.memory_space<hbm>> -> memref<1x1x128xi32, #tpu.memory_space<hbm>>
      %dma_wait3A_146 = tpu.memref_squeeze %dma_wait3A_145 : memref<1x1x128xi32, #tpu.memory_space<hbm>> -> memref<128xi32, #tpu.memory_space<hbm>>
      tpu.wait_dma2 semaphore(%run_scoped3A_134 : memref<!tpu.dma_semaphore, #tpu.memory_space<semaphore_mem>>) src(%dma_wait3A_146 : memref<128xi32, #tpu.memory_space<hbm>>) dst(%arg8 : memref<128xi32, #tpu.memory_space<vmem>>)
      tpu.yield
    }) : () -> ()
    %dma_start3A_74 = arith.constant 0 : i32
    %dma_start3A_75 = arith.constant 0 : i32
    %dma_start3A_76 = tpu.memref_slice %arg2[%dma_start3A_74, %dma_start3A_75] : memref<1048576x16xf32, #tpu.memory_space<hbm>> -> memref<1048576x16xf32, #tpu.memory_space<hbm>>
    tpu.enqueue_indirect_dma source(%dma_start3A_76 : memref<1048576x16xf32, #tpu.memory_space<hbm>>) target(%arg10 : memref<128x16xf32, #tpu.memory_space<vmem>>) offsets(%arg8 : memref<128xi32, #tpu.memory_space<vmem>>) semaphore(%arg14 : memref<!tpu.dma_semaphore, #tpu.memory_space<semaphore_mem>>)
    %dma_start3A_77 = arith.constant 0 : i32
    %dma_start3A_78 = arith.constant 0 : i32
    %dma_start3A_79 = tpu.memref_slice %arg3[%dma_start3A_77, %dma_start3A_78] : memref<1048576x112xf32, #tpu.memory_space<hbm>> -> memref<1048576x112xf32, #tpu.memory_space<hbm>>
    tpu.enqueue_indirect_dma source(%dma_start3A_79 : memref<1048576x112xf32, #tpu.memory_space<hbm>>) target(%arg12 : memref<128x112xf32, #tpu.memory_space<vmem>>) offsets(%arg8 : memref<128xi32, #tpu.memory_space<vmem>>) semaphore(%arg16 : memref<!tpu.dma_semaphore, #tpu.memory_space<semaphore_mem>>)
    %dma_wait3A_80 = arith.constant 0 : i32
    %dma_wait3A_81 = arith.constant 0 : i32
    %dma_wait3A_82 = tpu.memref_slice %arg2[%dma_wait3A_80, %dma_wait3A_81] : memref<1048576x16xf32, #tpu.memory_space<hbm>> -> memref<1048576x16xf32, #tpu.memory_space<hbm>>
    tpu.wait_indirect_dma semaphore(%arg13 : memref<!tpu.dma_semaphore, #tpu.memory_space<semaphore_mem>>) src(%dma_wait3A_82 : memref<1048576x16xf32, #tpu.memory_space<hbm>>) dst(%arg9 : memref<128x16xf32, #tpu.memory_space<vmem>>)
    %dma_wait3A_83 = arith.constant 0 : i32
    %dma_wait3A_84 = arith.constant 0 : i32
    %dma_wait3A_85 = tpu.memref_slice %arg3[%dma_wait3A_83, %dma_wait3A_84] : memref<1048576x112xf32, #tpu.memory_space<hbm>> -> memref<1048576x112xf32, #tpu.memory_space<hbm>>
    tpu.wait_indirect_dma semaphore(%arg15 : memref<!tpu.dma_semaphore, #tpu.memory_space<semaphore_mem>>) src(%dma_wait3A_85 : memref<1048576x112xf32, #tpu.memory_space<hbm>>) dst(%arg11 : memref<128x112xf32, #tpu.memory_space<vmem>>)
    %mul3A_86 = arith.constant 1024 : i32
    %mul3A_87 = arith.muli %add3A, %mul3A_86 : i32
    %add3A_88 = arith.constant 512 : i32
    %add3A_89 = arith.addi %mul3A_87, %add3A_88 : i32
    "tpu.region"() ({
      %run_scoped3A_134 = tpu.sem_alloc : memref<!tpu.dma_semaphore, #tpu.memory_space<semaphore_mem>>
      %dma_start3A_135 = arith.constant 0 : i32
      %dma_start3A_136 = tpu.memref_slice %arg5[%add3A_89, %dma_start3A_135] : memref<32768x16xf32, #tpu.memory_space<hbm>> -> memref<128x16xf32, #tpu.memory_space<hbm>>
      %dma_start3A_137 = arith.constant 0 : i32
      %dma_start3A_138 = tpu.memref_slice %arg5[%add3A_89, %dma_start3A_137] : memref<32768x16xf32, #tpu.memory_space<hbm>> -> memref<128x16xf32, #tpu.memory_space<hbm>>
      tpu.enqueue_dma source(%arg9 : memref<128x16xf32, #tpu.memory_space<vmem>>) target(%dma_start3A_138 : memref<128x16xf32, #tpu.memory_space<hbm>>) target_semaphore(%run_scoped3A_134 : memref<!tpu.dma_semaphore, #tpu.memory_space<semaphore_mem>>)
      %dma_wait3A_139 = arith.constant 0 : i32
      %dma_wait3A_140 = tpu.memref_slice %arg5[%add3A_89, %dma_wait3A_139] : memref<32768x16xf32, #tpu.memory_space<hbm>> -> memref<128x16xf32, #tpu.memory_space<hbm>>
      %dma_wait3A_141 = arith.constant 0 : i32
      %dma_wait3A_142 = tpu.memref_slice %arg5[%add3A_89, %dma_wait3A_141] : memref<32768x16xf32, #tpu.memory_space<hbm>> -> memref<128x16xf32, #tpu.memory_space<hbm>>
      tpu.wait_dma2 semaphore(%run_scoped3A_134 : memref<!tpu.dma_semaphore, #tpu.memory_space<semaphore_mem>>) src(%arg9 : memref<128x16xf32, #tpu.memory_space<vmem>>) dst(%dma_wait3A_142 : memref<128x16xf32, #tpu.memory_space<hbm>>)
      tpu.yield
    }) : () -> ()
    "tpu.region"() ({
      %run_scoped3A_134 = tpu.sem_alloc : memref<!tpu.dma_semaphore, #tpu.memory_space<semaphore_mem>>
      %dma_start3A_135 = arith.constant 0 : i32
      %dma_start3A_136 = tpu.memref_slice %arg6[%add3A_89, %dma_start3A_135] : memref<32768x112xf32, #tpu.memory_space<hbm>> -> memref<128x112xf32, #tpu.memory_space<hbm>>
      %dma_start3A_137 = arith.constant 0 : i32
      %dma_start3A_138 = tpu.memref_slice %arg6[%add3A_89, %dma_start3A_137] : memref<32768x112xf32, #tpu.memory_space<hbm>> -> memref<128x112xf32, #tpu.memory_space<hbm>>
      tpu.enqueue_dma source(%arg11 : memref<128x112xf32, #tpu.memory_space<vmem>>) target(%dma_start3A_138 : memref<128x112xf32, #tpu.memory_space<hbm>>) target_semaphore(%run_scoped3A_134 : memref<!tpu.dma_semaphore, #tpu.memory_space<semaphore_mem>>)
      %dma_wait3A_139 = arith.constant 0 : i32
      %dma_wait3A_140 = tpu.memref_slice %arg6[%add3A_89, %dma_wait3A_139] : memref<32768x112xf32, #tpu.memory_space<hbm>> -> memref<128x112xf32, #tpu.memory_space<hbm>>
      %dma_wait3A_141 = arith.constant 0 : i32
      %dma_wait3A_142 = tpu.memref_slice %arg6[%add3A_89, %dma_wait3A_141] : memref<32768x112xf32, #tpu.memory_space<hbm>> -> memref<128x112xf32, #tpu.memory_space<hbm>>
      tpu.wait_dma2 semaphore(%run_scoped3A_134 : memref<!tpu.dma_semaphore, #tpu.memory_space<semaphore_mem>>) src(%arg11 : memref<128x112xf32, #tpu.memory_space<vmem>>) dst(%dma_wait3A_142 : memref<128x112xf32, #tpu.memory_space<hbm>>)
      tpu.yield
    }) : () -> ()
    %run_scoped3A_90 = arith.constant 6 : i32
    "tpu.region"() ({
      %run_scoped3A_134 = tpu.sem_alloc : memref<!tpu.dma_semaphore, #tpu.memory_space<semaphore_mem>>
      %dma_start3A_135 = arith.constant 0 : i32
      %dma_start3A_136 = tpu.memref_slice %arg4[%add3A, %run_scoped3A_90, %dma_start3A_135] : memref<32x8x128xi32, #tpu.memory_space<hbm>> -> memref<1x1x128xi32, #tpu.memory_space<hbm>>
      %dma_start3A_137 = tpu.memref_squeeze %dma_start3A_136 : memref<1x1x128xi32, #tpu.memory_space<hbm>> -> memref<128xi32, #tpu.memory_space<hbm>>
      %dma_start3A_138 = arith.constant 0 : i32
      %dma_start3A_139 = tpu.memref_slice %arg4[%add3A, %run_scoped3A_90, %dma_start3A_138] : memref<32x8x128xi32, #tpu.memory_space<hbm>> -> memref<1x1x128xi32, #tpu.memory_space<hbm>>
      %dma_start3A_140 = tpu.memref_squeeze %dma_start3A_139 : memref<1x1x128xi32, #tpu.memory_space<hbm>> -> memref<128xi32, #tpu.memory_space<hbm>>
      tpu.enqueue_dma source(%dma_start3A_140 : memref<128xi32, #tpu.memory_space<hbm>>) target(%arg7 : memref<128xi32, #tpu.memory_space<vmem>>) target_semaphore(%run_scoped3A_134 : memref<!tpu.dma_semaphore, #tpu.memory_space<semaphore_mem>>)
      %dma_wait3A_141 = arith.constant 0 : i32
      %dma_wait3A_142 = tpu.memref_slice %arg4[%add3A, %run_scoped3A_90, %dma_wait3A_141] : memref<32x8x128xi32, #tpu.memory_space<hbm>> -> memref<1x1x128xi32, #tpu.memory_space<hbm>>
      %dma_wait3A_143 = tpu.memref_squeeze %dma_wait3A_142 : memref<1x1x128xi32, #tpu.memory_space<hbm>> -> memref<128xi32, #tpu.memory_space<hbm>>
      %dma_wait3A_144 = arith.constant 0 : i32
      %dma_wait3A_145 = tpu.memref_slice %arg4[%add3A, %run_scoped3A_90, %dma_wait3A_144] : memref<32x8x128xi32, #tpu.memory_space<hbm>> -> memref<1x1x128xi32, #tpu.memory_space<hbm>>
      %dma_wait3A_146 = tpu.memref_squeeze %dma_wait3A_145 : memref<1x1x128xi32, #tpu.memory_space<hbm>> -> memref<128xi32, #tpu.memory_space<hbm>>
      tpu.wait_dma2 semaphore(%run_scoped3A_134 : memref<!tpu.dma_semaphore, #tpu.memory_space<semaphore_mem>>) src(%dma_wait3A_146 : memref<128xi32, #tpu.memory_space<hbm>>) dst(%arg7 : memref<128xi32, #tpu.memory_space<vmem>>)
      tpu.yield
    }) : () -> ()
    %dma_start3A_91 = arith.constant 0 : i32
    %dma_start3A_92 = arith.constant 0 : i32
    %dma_start3A_93 = tpu.memref_slice %arg2[%dma_start3A_91, %dma_start3A_92] : memref<1048576x16xf32, #tpu.memory_space<hbm>> -> memref<1048576x16xf32, #tpu.memory_space<hbm>>
    tpu.enqueue_indirect_dma source(%dma_start3A_93 : memref<1048576x16xf32, #tpu.memory_space<hbm>>) target(%arg9 : memref<128x16xf32, #tpu.memory_space<vmem>>) offsets(%arg7 : memref<128xi32, #tpu.memory_space<vmem>>) semaphore(%arg13 : memref<!tpu.dma_semaphore, #tpu.memory_space<semaphore_mem>>)
    %dma_start3A_94 = arith.constant 0 : i32
    %dma_start3A_95 = arith.constant 0 : i32
    %dma_start3A_96 = tpu.memref_slice %arg3[%dma_start3A_94, %dma_start3A_95] : memref<1048576x112xf32, #tpu.memory_space<hbm>> -> memref<1048576x112xf32, #tpu.memory_space<hbm>>
    tpu.enqueue_indirect_dma source(%dma_start3A_96 : memref<1048576x112xf32, #tpu.memory_space<hbm>>) target(%arg11 : memref<128x112xf32, #tpu.memory_space<vmem>>) offsets(%arg7 : memref<128xi32, #tpu.memory_space<vmem>>) semaphore(%arg15 : memref<!tpu.dma_semaphore, #tpu.memory_space<semaphore_mem>>)
    %dma_wait3A_97 = arith.constant 0 : i32
    %dma_wait3A_98 = arith.constant 0 : i32
    %dma_wait3A_99 = tpu.memref_slice %arg2[%dma_wait3A_97, %dma_wait3A_98] : memref<1048576x16xf32, #tpu.memory_space<hbm>> -> memref<1048576x16xf32, #tpu.memory_space<hbm>>
    tpu.wait_indirect_dma semaphore(%arg14 : memref<!tpu.dma_semaphore, #tpu.memory_space<semaphore_mem>>) src(%dma_wait3A_99 : memref<1048576x16xf32, #tpu.memory_space<hbm>>) dst(%arg10 : memref<128x16xf32, #tpu.memory_space<vmem>>)
    %dma_wait3A_100 = arith.constant 0 : i32
    %dma_wait3A_101 = arith.constant 0 : i32
    %dma_wait3A_102 = tpu.memref_slice %arg3[%dma_wait3A_100, %dma_wait3A_101] : memref<1048576x112xf32, #tpu.memory_space<hbm>> -> memref<1048576x112xf32, #tpu.memory_space<hbm>>
    tpu.wait_indirect_dma semaphore(%arg16 : memref<!tpu.dma_semaphore, #tpu.memory_space<semaphore_mem>>) src(%dma_wait3A_102 : memref<1048576x112xf32, #tpu.memory_space<hbm>>) dst(%arg12 : memref<128x112xf32, #tpu.memory_space<vmem>>)
    %mul3A_103 = arith.constant 1024 : i32
    %mul3A_104 = arith.muli %add3A, %mul3A_103 : i32
    %add3A_105 = arith.constant 640 : i32
    %add3A_106 = arith.addi %mul3A_104, %add3A_105 : i32
    "tpu.region"() ({
      %run_scoped3A_134 = tpu.sem_alloc : memref<!tpu.dma_semaphore, #tpu.memory_space<semaphore_mem>>
      %dma_start3A_135 = arith.constant 0 : i32
      %dma_start3A_136 = tpu.memref_slice %arg5[%add3A_106, %dma_start3A_135] : memref<32768x16xf32, #tpu.memory_space<hbm>> -> memref<128x16xf32, #tpu.memory_space<hbm>>
      %dma_start3A_137 = arith.constant 0 : i32
      %dma_start3A_138 = tpu.memref_slice %arg5[%add3A_106, %dma_start3A_137] : memref<32768x16xf32, #tpu.memory_space<hbm>> -> memref<128x16xf32, #tpu.memory_space<hbm>>
      tpu.enqueue_dma source(%arg10 : memref<128x16xf32, #tpu.memory_space<vmem>>) target(%dma_start3A_138 : memref<128x16xf32, #tpu.memory_space<hbm>>) target_semaphore(%run_scoped3A_134 : memref<!tpu.dma_semaphore, #tpu.memory_space<semaphore_mem>>)
      %dma_wait3A_139 = arith.constant 0 : i32
      %dma_wait3A_140 = tpu.memref_slice %arg5[%add3A_106, %dma_wait3A_139] : memref<32768x16xf32, #tpu.memory_space<hbm>> -> memref<128x16xf32, #tpu.memory_space<hbm>>
      %dma_wait3A_141 = arith.constant 0 : i32
      %dma_wait3A_142 = tpu.memref_slice %arg5[%add3A_106, %dma_wait3A_141] : memref<32768x16xf32, #tpu.memory_space<hbm>> -> memref<128x16xf32, #tpu.memory_space<hbm>>
      tpu.wait_dma2 semaphore(%run_scoped3A_134 : memref<!tpu.dma_semaphore, #tpu.memory_space<semaphore_mem>>) src(%arg10 : memref<128x16xf32, #tpu.memory_space<vmem>>) dst(%dma_wait3A_142 : memref<128x16xf32, #tpu.memory_space<hbm>>)
      tpu.yield
    }) : () -> ()
    "tpu.region"() ({
      %run_scoped3A_134 = tpu.sem_alloc : memref<!tpu.dma_semaphore, #tpu.memory_space<semaphore_mem>>
      %dma_start3A_135 = arith.constant 0 : i32
      %dma_start3A_136 = tpu.memref_slice %arg6[%add3A_106, %dma_start3A_135] : memref<32768x112xf32, #tpu.memory_space<hbm>> -> memref<128x112xf32, #tpu.memory_space<hbm>>
      %dma_start3A_137 = arith.constant 0 : i32
      %dma_start3A_138 = tpu.memref_slice %arg6[%add3A_106, %dma_start3A_137] : memref<32768x112xf32, #tpu.memory_space<hbm>> -> memref<128x112xf32, #tpu.memory_space<hbm>>
      tpu.enqueue_dma source(%arg12 : memref<128x112xf32, #tpu.memory_space<vmem>>) target(%dma_start3A_138 : memref<128x112xf32, #tpu.memory_space<hbm>>) target_semaphore(%run_scoped3A_134 : memref<!tpu.dma_semaphore, #tpu.memory_space<semaphore_mem>>)
      %dma_wait3A_139 = arith.constant 0 : i32
      %dma_wait3A_140 = tpu.memref_slice %arg6[%add3A_106, %dma_wait3A_139] : memref<32768x112xf32, #tpu.memory_space<hbm>> -> memref<128x112xf32, #tpu.memory_space<hbm>>
      %dma_wait3A_141 = arith.constant 0 : i32
      %dma_wait3A_142 = tpu.memref_slice %arg6[%add3A_106, %dma_wait3A_141] : memref<32768x112xf32, #tpu.memory_space<hbm>> -> memref<128x112xf32, #tpu.memory_space<hbm>>
      tpu.wait_dma2 semaphore(%run_scoped3A_134 : memref<!tpu.dma_semaphore, #tpu.memory_space<semaphore_mem>>) src(%arg12 : memref<128x112xf32, #tpu.memory_space<vmem>>) dst(%dma_wait3A_142 : memref<128x112xf32, #tpu.memory_space<hbm>>)
      tpu.yield
    }) : () -> ()
    %run_scoped3A_107 = arith.constant 7 : i32
    "tpu.region"() ({
      %run_scoped3A_134 = tpu.sem_alloc : memref<!tpu.dma_semaphore, #tpu.memory_space<semaphore_mem>>
      %dma_start3A_135 = arith.constant 0 : i32
      %dma_start3A_136 = tpu.memref_slice %arg4[%add3A, %run_scoped3A_107, %dma_start3A_135] : memref<32x8x128xi32, #tpu.memory_space<hbm>> -> memref<1x1x128xi32, #tpu.memory_space<hbm>>
      %dma_start3A_137 = tpu.memref_squeeze %dma_start3A_136 : memref<1x1x128xi32, #tpu.memory_space<hbm>> -> memref<128xi32, #tpu.memory_space<hbm>>
      %dma_start3A_138 = arith.constant 0 : i32
      %dma_start3A_139 = tpu.memref_slice %arg4[%add3A, %run_scoped3A_107, %dma_start3A_138] : memref<32x8x128xi32, #tpu.memory_space<hbm>> -> memref<1x1x128xi32, #tpu.memory_space<hbm>>
      %dma_start3A_140 = tpu.memref_squeeze %dma_start3A_139 : memref<1x1x128xi32, #tpu.memory_space<hbm>> -> memref<128xi32, #tpu.memory_space<hbm>>
      tpu.enqueue_dma source(%dma_start3A_140 : memref<128xi32, #tpu.memory_space<hbm>>) target(%arg8 : memref<128xi32, #tpu.memory_space<vmem>>) target_semaphore(%run_scoped3A_134 : memref<!tpu.dma_semaphore, #tpu.memory_space<semaphore_mem>>)
      %dma_wait3A_141 = arith.constant 0 : i32
      %dma_wait3A_142 = tpu.memref_slice %arg4[%add3A, %run_scoped3A_107, %dma_wait3A_141] : memref<32x8x128xi32, #tpu.memory_space<hbm>> -> memref<1x1x128xi32, #tpu.memory_space<hbm>>
      %dma_wait3A_143 = tpu.memref_squeeze %dma_wait3A_142 : memref<1x1x128xi32, #tpu.memory_space<hbm>> -> memref<128xi32, #tpu.memory_space<hbm>>
      %dma_wait3A_144 = arith.constant 0 : i32
      %dma_wait3A_145 = tpu.memref_slice %arg4[%add3A, %run_scoped3A_107, %dma_wait3A_144] : memref<32x8x128xi32, #tpu.memory_space<hbm>> -> memref<1x1x128xi32, #tpu.memory_space<hbm>>
      %dma_wait3A_146 = tpu.memref_squeeze %dma_wait3A_145 : memref<1x1x128xi32, #tpu.memory_space<hbm>> -> memref<128xi32, #tpu.memory_space<hbm>>
      tpu.wait_dma2 semaphore(%run_scoped3A_134 : memref<!tpu.dma_semaphore, #tpu.memory_space<semaphore_mem>>) src(%dma_wait3A_146 : memref<128xi32, #tpu.memory_space<hbm>>) dst(%arg8 : memref<128xi32, #tpu.memory_space<vmem>>)
      tpu.yield
    }) : () -> ()
    %dma_start3A_108 = arith.constant 0 : i32
    %dma_start3A_109 = arith.constant 0 : i32
    %dma_start3A_110 = tpu.memref_slice %arg2[%dma_start3A_108, %dma_start3A_109] : memref<1048576x16xf32, #tpu.memory_space<hbm>> -> memref<1048576x16xf32, #tpu.memory_space<hbm>>
    tpu.enqueue_indirect_dma source(%dma_start3A_110 : memref<1048576x16xf32, #tpu.memory_space<hbm>>) target(%arg10 : memref<128x16xf32, #tpu.memory_space<vmem>>) offsets(%arg8 : memref<128xi32, #tpu.memory_space<vmem>>) semaphore(%arg14 : memref<!tpu.dma_semaphore, #tpu.memory_space<semaphore_mem>>)
    %dma_start3A_111 = arith.constant 0 : i32
    %dma_start3A_112 = arith.constant 0 : i32
    %dma_start3A_113 = tpu.memref_slice %arg3[%dma_start3A_111, %dma_start3A_112] : memref<1048576x112xf32, #tpu.memory_space<hbm>> -> memref<1048576x112xf32, #tpu.memory_space<hbm>>
    tpu.enqueue_indirect_dma source(%dma_start3A_113 : memref<1048576x112xf32, #tpu.memory_space<hbm>>) target(%arg12 : memref<128x112xf32, #tpu.memory_space<vmem>>) offsets(%arg8 : memref<128xi32, #tpu.memory_space<vmem>>) semaphore(%arg16 : memref<!tpu.dma_semaphore, #tpu.memory_space<semaphore_mem>>)
    %dma_wait3A_114 = arith.constant 0 : i32
    %dma_wait3A_115 = arith.constant 0 : i32
    %dma_wait3A_116 = tpu.memref_slice %arg2[%dma_wait3A_114, %dma_wait3A_115] : memref<1048576x16xf32, #tpu.memory_space<hbm>> -> memref<1048576x16xf32, #tpu.memory_space<hbm>>
    tpu.wait_indirect_dma semaphore(%arg13 : memref<!tpu.dma_semaphore, #tpu.memory_space<semaphore_mem>>) src(%dma_wait3A_116 : memref<1048576x16xf32, #tpu.memory_space<hbm>>) dst(%arg9 : memref<128x16xf32, #tpu.memory_space<vmem>>)
    %dma_wait3A_117 = arith.constant 0 : i32
    %dma_wait3A_118 = arith.constant 0 : i32
    %dma_wait3A_119 = tpu.memref_slice %arg3[%dma_wait3A_117, %dma_wait3A_118] : memref<1048576x112xf32, #tpu.memory_space<hbm>> -> memref<1048576x112xf32, #tpu.memory_space<hbm>>
    tpu.wait_indirect_dma semaphore(%arg15 : memref<!tpu.dma_semaphore, #tpu.memory_space<semaphore_mem>>) src(%dma_wait3A_119 : memref<1048576x112xf32, #tpu.memory_space<hbm>>) dst(%arg11 : memref<128x112xf32, #tpu.memory_space<vmem>>)
    %mul3A_120 = arith.constant 1024 : i32
    %mul3A_121 = arith.muli %add3A, %mul3A_120 : i32
    %add3A_122 = arith.constant 768 : i32
    %add3A_123 = arith.addi %mul3A_121, %add3A_122 : i32
    "tpu.region"() ({
      %run_scoped3A_134 = tpu.sem_alloc : memref<!tpu.dma_semaphore, #tpu.memory_space<semaphore_mem>>
      %dma_start3A_135 = arith.constant 0 : i32
      %dma_start3A_136 = tpu.memref_slice %arg5[%add3A_123, %dma_start3A_135] : memref<32768x16xf32, #tpu.memory_space<hbm>> -> memref<128x16xf32, #tpu.memory_space<hbm>>
      %dma_start3A_137 = arith.constant 0 : i32
      %dma_start3A_138 = tpu.memref_slice %arg5[%add3A_123, %dma_start3A_137] : memref<32768x16xf32, #tpu.memory_space<hbm>> -> memref<128x16xf32, #tpu.memory_space<hbm>>
      tpu.enqueue_dma source(%arg9 : memref<128x16xf32, #tpu.memory_space<vmem>>) target(%dma_start3A_138 : memref<128x16xf32, #tpu.memory_space<hbm>>) target_semaphore(%run_scoped3A_134 : memref<!tpu.dma_semaphore, #tpu.memory_space<semaphore_mem>>)
      %dma_wait3A_139 = arith.constant 0 : i32
      %dma_wait3A_140 = tpu.memref_slice %arg5[%add3A_123, %dma_wait3A_139] : memref<32768x16xf32, #tpu.memory_space<hbm>> -> memref<128x16xf32, #tpu.memory_space<hbm>>
      %dma_wait3A_141 = arith.constant 0 : i32
      %dma_wait3A_142 = tpu.memref_slice %arg5[%add3A_123, %dma_wait3A_141] : memref<32768x16xf32, #tpu.memory_space<hbm>> -> memref<128x16xf32, #tpu.memory_space<hbm>>
      tpu.wait_dma2 semaphore(%run_scoped3A_134 : memref<!tpu.dma_semaphore, #tpu.memory_space<semaphore_mem>>) src(%arg9 : memref<128x16xf32, #tpu.memory_space<vmem>>) dst(%dma_wait3A_142 : memref<128x16xf32, #tpu.memory_space<hbm>>)
      tpu.yield
    }) : () -> ()
    "tpu.region"() ({
      %run_scoped3A_134 = tpu.sem_alloc : memref<!tpu.dma_semaphore, #tpu.memory_space<semaphore_mem>>
      %dma_start3A_135 = arith.constant 0 : i32
      %dma_start3A_136 = tpu.memref_slice %arg6[%add3A_123, %dma_start3A_135] : memref<32768x112xf32, #tpu.memory_space<hbm>> -> memref<128x112xf32, #tpu.memory_space<hbm>>
      %dma_start3A_137 = arith.constant 0 : i32
      %dma_start3A_138 = tpu.memref_slice %arg6[%add3A_123, %dma_start3A_137] : memref<32768x112xf32, #tpu.memory_space<hbm>> -> memref<128x112xf32, #tpu.memory_space<hbm>>
      tpu.enqueue_dma source(%arg11 : memref<128x112xf32, #tpu.memory_space<vmem>>) target(%dma_start3A_138 : memref<128x112xf32, #tpu.memory_space<hbm>>) target_semaphore(%run_scoped3A_134 : memref<!tpu.dma_semaphore, #tpu.memory_space<semaphore_mem>>)
      %dma_wait3A_139 = arith.constant 0 : i32
      %dma_wait3A_140 = tpu.memref_slice %arg6[%add3A_123, %dma_wait3A_139] : memref<32768x112xf32, #tpu.memory_space<hbm>> -> memref<128x112xf32, #tpu.memory_space<hbm>>
      %dma_wait3A_141 = arith.constant 0 : i32
      %dma_wait3A_142 = tpu.memref_slice %arg6[%add3A_123, %dma_wait3A_141] : memref<32768x112xf32, #tpu.memory_space<hbm>> -> memref<128x112xf32, #tpu.memory_space<hbm>>
      tpu.wait_dma2 semaphore(%run_scoped3A_134 : memref<!tpu.dma_semaphore, #tpu.memory_space<semaphore_mem>>) src(%arg11 : memref<128x112xf32, #tpu.memory_space<vmem>>) dst(%dma_wait3A_142 : memref<128x112xf32, #tpu.memory_space<hbm>>)
      tpu.yield
    }) : () -> ()
    %dma_wait3A_124 = arith.constant 0 : i32
    %dma_wait3A_125 = arith.constant 0 : i32
    %dma_wait3A_126 = tpu.memref_slice %arg2[%dma_wait3A_124, %dma_wait3A_125] : memref<1048576x16xf32, #tpu.memory_space<hbm>> -> memref<1048576x16xf32, #tpu.memory_space<hbm>>
    tpu.wait_indirect_dma semaphore(%arg14 : memref<!tpu.dma_semaphore, #tpu.memory_space<semaphore_mem>>) src(%dma_wait3A_126 : memref<1048576x16xf32, #tpu.memory_space<hbm>>) dst(%arg10 : memref<128x16xf32, #tpu.memory_space<vmem>>)
    %dma_wait3A_127 = arith.constant 0 : i32
    %dma_wait3A_128 = arith.constant 0 : i32
    %dma_wait3A_129 = tpu.memref_slice %arg3[%dma_wait3A_127, %dma_wait3A_128] : memref<1048576x112xf32, #tpu.memory_space<hbm>> -> memref<1048576x112xf32, #tpu.memory_space<hbm>>
    tpu.wait_indirect_dma semaphore(%arg16 : memref<!tpu.dma_semaphore, #tpu.memory_space<semaphore_mem>>) src(%dma_wait3A_129 : memref<1048576x112xf32, #tpu.memory_space<hbm>>) dst(%arg12 : memref<128x112xf32, #tpu.memory_space<vmem>>)
    %mul3A_130 = arith.constant 1024 : i32
    %mul3A_131 = arith.muli %add3A, %mul3A_130 : i32
    %add3A_132 = arith.constant 896 : i32
    %add3A_133 = arith.addi %mul3A_131, %add3A_132 : i32
    "tpu.region"() ({
      %run_scoped3A_134 = tpu.sem_alloc : memref<!tpu.dma_semaphore, #tpu.memory_space<semaphore_mem>>
      %dma_start3A_135 = arith.constant 0 : i32
      %dma_start3A_136 = tpu.memref_slice %arg5[%add3A_133, %dma_start3A_135] : memref<32768x16xf32, #tpu.memory_space<hbm>> -> memref<128x16xf32, #tpu.memory_space<hbm>>
      %dma_start3A_137 = arith.constant 0 : i32
      %dma_start3A_138 = tpu.memref_slice %arg5[%add3A_133, %dma_start3A_137] : memref<32768x16xf32, #tpu.memory_space<hbm>> -> memref<128x16xf32, #tpu.memory_space<hbm>>
      tpu.enqueue_dma source(%arg10 : memref<128x16xf32, #tpu.memory_space<vmem>>) target(%dma_start3A_138 : memref<128x16xf32, #tpu.memory_space<hbm>>) target_semaphore(%run_scoped3A_134 : memref<!tpu.dma_semaphore, #tpu.memory_space<semaphore_mem>>)
      %dma_wait3A_139 = arith.constant 0 : i32
      %dma_wait3A_140 = tpu.memref_slice %arg5[%add3A_133, %dma_wait3A_139] : memref<32768x16xf32, #tpu.memory_space<hbm>> -> memref<128x16xf32, #tpu.memory_space<hbm>>
      %dma_wait3A_141 = arith.constant 0 : i32
      %dma_wait3A_142 = tpu.memref_slice %arg5[%add3A_133, %dma_wait3A_141] : memref<32768x16xf32, #tpu.memory_space<hbm>> -> memref<128x16xf32, #tpu.memory_space<hbm>>
      tpu.wait_dma2 semaphore(%run_scoped3A_134 : memref<!tpu.dma_semaphore, #tpu.memory_space<semaphore_mem>>) src(%arg10 : memref<128x16xf32, #tpu.memory_space<vmem>>) dst(%dma_wait3A_142 : memref<128x16xf32, #tpu.memory_space<hbm>>)
      tpu.yield
    }) : () -> ()
    "tpu.region"() ({
      %run_scoped3A_134 = tpu.sem_alloc : memref<!tpu.dma_semaphore, #tpu.memory_space<semaphore_mem>>
      %dma_start3A_135 = arith.constant 0 : i32
      %dma_start3A_136 = tpu.memref_slice %arg6[%add3A_133, %dma_start3A_135] : memref<32768x112xf32, #tpu.memory_space<hbm>> -> memref<128x112xf32, #tpu.memory_space<hbm>>
      %dma_start3A_137 = arith.constant 0 : i32
      %dma_start3A_138 = tpu.memref_slice %arg6[%add3A_133, %dma_start3A_137] : memref<32768x112xf32, #tpu.memory_space<hbm>> -> memref<128x112xf32, #tpu.memory_space<hbm>>
      tpu.enqueue_dma source(%arg12 : memref<128x112xf32, #tpu.memory_space<vmem>>) target(%dma_start3A_138 : memref<128x112xf32, #tpu.memory_space<hbm>>) target_semaphore(%run_scoped3A_134 : memref<!tpu.dma_semaphore, #tpu.memory_space<semaphore_mem>>)
      %dma_wait3A_139 = arith.constant 0 : i32
      %dma_wait3A_140 = tpu.memref_slice %arg6[%add3A_133, %dma_wait3A_139] : memref<32768x112xf32, #tpu.memory_space<hbm>> -> memref<128x112xf32, #tpu.memory_space<hbm>>
      %dma_wait3A_141 = arith.constant 0 : i32
      %dma_wait3A_142 = tpu.memref_slice %arg6[%add3A_133, %dma_wait3A_141] : memref<32768x112xf32, #tpu.memory_space<hbm>> -> memref<128x112xf32, #tpu.memory_space<hbm>>
      tpu.wait_dma2 semaphore(%run_scoped3A_134 : memref<!tpu.dma_semaphore, #tpu.memory_space<semaphore_mem>>) src(%arg12 : memref<128x112xf32, #tpu.memory_space<vmem>>) dst(%dma_wait3A_142 : memref<128x112xf32, #tpu.memory_space<hbm>>)
      tpu.yield
    }) : () -> ()
    return
  }
}

module attributes {stable_mosaic.version = 14 : i64} {
  func.func @_topk_body(%arg0: i32, %arg1: memref<8x1024x16xf32, #tpu.memory_space<vmem>>, %arg2: memref<1x16xf32, #tpu.memory_space<vmem>>, %arg3: memref<8x32xi32, #tpu.memory_space<vmem>>) attributes {dimension_semantics = [#tpu.dimension_semantics<arbitrary>], iteration_bounds = array<i64: 128>, scalar_prefetch = 0 : i64, scratch_operands = 0 : i64, tpu.core_type = #tpu.core_type<tc>, window_params = [{transform_indices = @transform_0, window_bounds = array<i64: 8, 1024, 16>}, {pipeline_mode = #tpu.pipeline_mode<synchronous>, transform_indices = @transform_1, window_bounds = array<i64: 1, 16>}, {transform_indices = @transform_2, window_bounds = array<i64: 8, 32>}]} {
    %get3A = arith.constant 0 : index
    %get3A_0 = arith.constant 0 : index
    %get3A_1 = vector.load %arg2[%get3A, %get3A_0] : memref<1x16xf32, #tpu.memory_space<vmem>>, vector<1x16xf32>
    %get3A_2 = arith.constant 0 : index
    %get3A_3 = arith.constant 0 : index
    %get3A_4 = arith.constant 0 : index
    %get3A_5 = vector.load %arg1[%get3A_2, %get3A_3, %get3A_4] : memref<8x1024x16xf32, #tpu.memory_space<vmem>>, vector<1x1024x16xf32>
    %get3A_6 = vector.shape_cast %get3A_5 : vector<1x1024x16xf32> to vector<1024x16xf32>
    %dot_general3A = arith.constant dense<0.000000e+00> : vector<1x1024xf32>
    %dot_general3A_7 = tpu.matmul %get3A_1, %get3A_6, %dot_general3A {dimension_numbers = #tpu.dot_dimension_numbers<[1], [1], [0], [0], [0, 0, 1, 0], [], []>, transpose_lhs_hint = false} : vector<1x16xf32>, vector<1024x16xf32>, vector<1x1024xf32> -> vector<1x1024xf32>
    %get3A_8 = arith.constant 1 : index
    %get3A_9 = arith.constant 0 : index
    %get3A_10 = arith.constant 0 : index
    %get3A_11 = vector.load %arg1[%get3A_8, %get3A_9, %get3A_10] : memref<8x1024x16xf32, #tpu.memory_space<vmem>>, vector<1x1024x16xf32>
    %get3A_12 = vector.shape_cast %get3A_11 : vector<1x1024x16xf32> to vector<1024x16xf32>
    %dot_general3A_13 = arith.constant dense<0.000000e+00> : vector<1x1024xf32>
    %dot_general3A_14 = tpu.matmul %get3A_1, %get3A_12, %dot_general3A_13 {dimension_numbers = #tpu.dot_dimension_numbers<[1], [1], [0], [0], [0, 0, 1, 0], [], []>, transpose_lhs_hint = false} : vector<1x16xf32>, vector<1024x16xf32>, vector<1x1024xf32> -> vector<1x1024xf32>
    %get3A_15 = arith.constant 2 : index
    %get3A_16 = arith.constant 0 : index
    %get3A_17 = arith.constant 0 : index
    %get3A_18 = vector.load %arg1[%get3A_15, %get3A_16, %get3A_17] : memref<8x1024x16xf32, #tpu.memory_space<vmem>>, vector<1x1024x16xf32>
    %get3A_19 = vector.shape_cast %get3A_18 : vector<1x1024x16xf32> to vector<1024x16xf32>
    %dot_general3A_20 = arith.constant dense<0.000000e+00> : vector<1x1024xf32>
    %dot_general3A_21 = tpu.matmul %get3A_1, %get3A_19, %dot_general3A_20 {dimension_numbers = #tpu.dot_dimension_numbers<[1], [1], [0], [0], [0, 0, 1, 0], [], []>, transpose_lhs_hint = false} : vector<1x16xf32>, vector<1024x16xf32>, vector<1x1024xf32> -> vector<1x1024xf32>
    %get3A_22 = arith.constant 3 : index
    %get3A_23 = arith.constant 0 : index
    %get3A_24 = arith.constant 0 : index
    %get3A_25 = vector.load %arg1[%get3A_22, %get3A_23, %get3A_24] : memref<8x1024x16xf32, #tpu.memory_space<vmem>>, vector<1x1024x16xf32>
    %get3A_26 = vector.shape_cast %get3A_25 : vector<1x1024x16xf32> to vector<1024x16xf32>
    %dot_general3A_27 = arith.constant dense<0.000000e+00> : vector<1x1024xf32>
    %dot_general3A_28 = tpu.matmul %get3A_1, %get3A_26, %dot_general3A_27 {dimension_numbers = #tpu.dot_dimension_numbers<[1], [1], [0], [0], [0, 0, 1, 0], [], []>, transpose_lhs_hint = false} : vector<1x16xf32>, vector<1024x16xf32>, vector<1x1024xf32> -> vector<1x1024xf32>
    %get3A_29 = arith.constant 4 : index
    %get3A_30 = arith.constant 0 : index
    %get3A_31 = arith.constant 0 : index
    %get3A_32 = vector.load %arg1[%get3A_29, %get3A_30, %get3A_31] : memref<8x1024x16xf32, #tpu.memory_space<vmem>>, vector<1x1024x16xf32>
    %get3A_33 = vector.shape_cast %get3A_32 : vector<1x1024x16xf32> to vector<1024x16xf32>
    %dot_general3A_34 = arith.constant dense<0.000000e+00> : vector<1x1024xf32>
    %dot_general3A_35 = tpu.matmul %get3A_1, %get3A_33, %dot_general3A_34 {dimension_numbers = #tpu.dot_dimension_numbers<[1], [1], [0], [0], [0, 0, 1, 0], [], []>, transpose_lhs_hint = false} : vector<1x16xf32>, vector<1024x16xf32>, vector<1x1024xf32> -> vector<1x1024xf32>
    %get3A_36 = arith.constant 5 : index
    %get3A_37 = arith.constant 0 : index
    %get3A_38 = arith.constant 0 : index
    %get3A_39 = vector.load %arg1[%get3A_36, %get3A_37, %get3A_38] : memref<8x1024x16xf32, #tpu.memory_space<vmem>>, vector<1x1024x16xf32>
    %get3A_40 = vector.shape_cast %get3A_39 : vector<1x1024x16xf32> to vector<1024x16xf32>
    %dot_general3A_41 = arith.constant dense<0.000000e+00> : vector<1x1024xf32>
    %dot_general3A_42 = tpu.matmul %get3A_1, %get3A_40, %dot_general3A_41 {dimension_numbers = #tpu.dot_dimension_numbers<[1], [1], [0], [0], [0, 0, 1, 0], [], []>, transpose_lhs_hint = false} : vector<1x16xf32>, vector<1024x16xf32>, vector<1x1024xf32> -> vector<1x1024xf32>
    %get3A_43 = arith.constant 6 : index
    %get3A_44 = arith.constant 0 : index
    %get3A_45 = arith.constant 0 : index
    %get3A_46 = vector.load %arg1[%get3A_43, %get3A_44, %get3A_45] : memref<8x1024x16xf32, #tpu.memory_space<vmem>>, vector<1x1024x16xf32>
    %get3A_47 = vector.shape_cast %get3A_46 : vector<1x1024x16xf32> to vector<1024x16xf32>
    %dot_general3A_48 = arith.constant dense<0.000000e+00> : vector<1x1024xf32>
    %dot_general3A_49 = tpu.matmul %get3A_1, %get3A_47, %dot_general3A_48 {dimension_numbers = #tpu.dot_dimension_numbers<[1], [1], [0], [0], [0, 0, 1, 0], [], []>, transpose_lhs_hint = false} : vector<1x16xf32>, vector<1024x16xf32>, vector<1x1024xf32> -> vector<1x1024xf32>
    %get3A_50 = arith.constant 7 : index
    %get3A_51 = arith.constant 0 : index
    %get3A_52 = arith.constant 0 : index
    %get3A_53 = vector.load %arg1[%get3A_50, %get3A_51, %get3A_52] : memref<8x1024x16xf32, #tpu.memory_space<vmem>>, vector<1x1024x16xf32>
    %get3A_54 = vector.shape_cast %get3A_53 : vector<1x1024x16xf32> to vector<1024x16xf32>
    %dot_general3A_55 = arith.constant dense<0.000000e+00> : vector<1x1024xf32>
    %dot_general3A_56 = tpu.matmul %get3A_1, %get3A_54, %dot_general3A_55 {dimension_numbers = #tpu.dot_dimension_numbers<[1], [1], [0], [0], [0, 0, 1, 0], [], []>, transpose_lhs_hint = false} : vector<1x16xf32>, vector<1024x16xf32>, vector<1x1024xf32> -> vector<1x1024xf32>
    %concatenate3A = tpu.concatenate %dot_general3A_7, %dot_general3A_14, %dot_general3A_21, %dot_general3A_28, %dot_general3A_35, %dot_general3A_42, %dot_general3A_49, %dot_general3A_56 in 0 : vector<1x1024xf32>, vector<1x1024xf32>, vector<1x1024xf32>, vector<1x1024xf32>, vector<1x1024xf32>, vector<1x1024xf32>, vector<1x1024xf32>, vector<1x1024xf32> -> vector<8x1024xf32>
    %iota3A = tpu.iota {dimensions = array<i32: 1>} : vector<8x1024xi32>
    %reduce_max3A = arith.constant dense<0xFF800000> : vector<8xf32>
    %reduce_max3A_57 = vector.multi_reduction <maximumf>, %concatenate3A, %reduce_max3A [1] : vector<8x1024xf32> to vector<8xf32>
    %broadcast_in_dim3A = vector.shape_cast %reduce_max3A_57 : vector<8xf32> to vector<8x1xf32>
    %eq3A = vector.broadcast %broadcast_in_dim3A : vector<8x1xf32> to vector<8x1024xf32>
    %eq3A_58 = arith.cmpf oeq, %concatenate3A, %eq3A : vector<8x1024xf32>
    %jit3A = arith.constant 1024 : i32
    %broadcast_in_dim3A_59 = vector.broadcast %jit3A : i32 to vector<8x1024xi32>
    %select_n3A = arith.select %eq3A_58, %iota3A, %broadcast_in_dim3A_59 : vector<8x1024xi1>, vector<8x1024xi32>
    %reduce_min3A = arith.constant dense<2147483647> : vector<8xi32>
    %reduce_min3A_60 = vector.multi_reduction <minsi>, %select_n3A, %reduce_min3A [1] : vector<8x1024xi32> to vector<8xi32>
    %broadcast_in_dim3A_61 = vector.shape_cast %reduce_min3A_60 : vector<8xi32> to vector<8x1xi32>
    %eq3A_62 = vector.broadcast %broadcast_in_dim3A_61 : vector<8x1xi32> to vector<8x1024xi32>
    %eq3A_63 = arith.cmpi eq, %iota3A, %eq3A_62 : vector<8x1024xi32>
    %jit3A_64 = arith.constant 0xFF800000 : f32
    %broadcast_in_dim3A_65 = vector.broadcast %jit3A_64 : f32 to vector<8x1024xf32>
    %select_n3A_66 = arith.select %eq3A_63, %broadcast_in_dim3A_65, %concatenate3A : vector<8x1024xi1>, vector<8x1024xf32>
    %reduce_max3A_67 = arith.constant dense<0xFF800000> : vector<8xf32>
    %reduce_max3A_68 = vector.multi_reduction <maximumf>, %select_n3A_66, %reduce_max3A_67 [1] : vector<8x1024xf32> to vector<8xf32>
    %broadcast_in_dim3A_69 = vector.shape_cast %reduce_max3A_68 : vector<8xf32> to vector<8x1xf32>
    %eq3A_70 = vector.broadcast %broadcast_in_dim3A_69 : vector<8x1xf32> to vector<8x1024xf32>
    %eq3A_71 = arith.cmpf oeq, %select_n3A_66, %eq3A_70 : vector<8x1024xf32>
    %jit3A_72 = arith.constant 1024 : i32
    %broadcast_in_dim3A_73 = vector.broadcast %jit3A_72 : i32 to vector<8x1024xi32>
    %select_n3A_74 = arith.select %eq3A_71, %iota3A, %broadcast_in_dim3A_73 : vector<8x1024xi1>, vector<8x1024xi32>
    %reduce_min3A_75 = arith.constant dense<2147483647> : vector<8xi32>
    %reduce_min3A_76 = vector.multi_reduction <minsi>, %select_n3A_74, %reduce_min3A_75 [1] : vector<8x1024xi32> to vector<8xi32>
    %broadcast_in_dim3A_77 = vector.shape_cast %reduce_min3A_76 : vector<8xi32> to vector<8x1xi32>
    %eq3A_78 = vector.broadcast %broadcast_in_dim3A_77 : vector<8x1xi32> to vector<8x1024xi32>
    %eq3A_79 = arith.cmpi eq, %iota3A, %eq3A_78 : vector<8x1024xi32>
    %jit3A_80 = arith.constant 0xFF800000 : f32
    %broadcast_in_dim3A_81 = vector.broadcast %jit3A_80 : f32 to vector<8x1024xf32>
    %select_n3A_82 = arith.select %eq3A_79, %broadcast_in_dim3A_81, %select_n3A_66 : vector<8x1024xi1>, vector<8x1024xf32>
    %reduce_max3A_83 = arith.constant dense<0xFF800000> : vector<8xf32>
    %reduce_max3A_84 = vector.multi_reduction <maximumf>, %select_n3A_82, %reduce_max3A_83 [1] : vector<8x1024xf32> to vector<8xf32>
    %broadcast_in_dim3A_85 = vector.shape_cast %reduce_max3A_84 : vector<8xf32> to vector<8x1xf32>
    %eq3A_86 = vector.broadcast %broadcast_in_dim3A_85 : vector<8x1xf32> to vector<8x1024xf32>
    %eq3A_87 = arith.cmpf oeq, %select_n3A_82, %eq3A_86 : vector<8x1024xf32>
    %jit3A_88 = arith.constant 1024 : i32
    %broadcast_in_dim3A_89 = vector.broadcast %jit3A_88 : i32 to vector<8x1024xi32>
    %select_n3A_90 = arith.select %eq3A_87, %iota3A, %broadcast_in_dim3A_89 : vector<8x1024xi1>, vector<8x1024xi32>
    %reduce_min3A_91 = arith.constant dense<2147483647> : vector<8xi32>
    %reduce_min3A_92 = vector.multi_reduction <minsi>, %select_n3A_90, %reduce_min3A_91 [1] : vector<8x1024xi32> to vector<8xi32>
    %broadcast_in_dim3A_93 = vector.shape_cast %reduce_min3A_92 : vector<8xi32> to vector<8x1xi32>
    %eq3A_94 = vector.broadcast %broadcast_in_dim3A_93 : vector<8x1xi32> to vector<8x1024xi32>
    %eq3A_95 = arith.cmpi eq, %iota3A, %eq3A_94 : vector<8x1024xi32>
    %jit3A_96 = arith.constant 0xFF800000 : f32
    %broadcast_in_dim3A_97 = vector.broadcast %jit3A_96 : f32 to vector<8x1024xf32>
    %select_n3A_98 = arith.select %eq3A_95, %broadcast_in_dim3A_97, %select_n3A_82 : vector<8x1024xi1>, vector<8x1024xf32>
    %reduce_max3A_99 = arith.constant dense<0xFF800000> : vector<8xf32>
    %reduce_max3A_100 = vector.multi_reduction <maximumf>, %select_n3A_98, %reduce_max3A_99 [1] : vector<8x1024xf32> to vector<8xf32>
    %broadcast_in_dim3A_101 = vector.shape_cast %reduce_max3A_100 : vector<8xf32> to vector<8x1xf32>
    %eq3A_102 = vector.broadcast %broadcast_in_dim3A_101 : vector<8x1xf32> to vector<8x1024xf32>
    %eq3A_103 = arith.cmpf oeq, %select_n3A_98, %eq3A_102 : vector<8x1024xf32>
    %jit3A_104 = arith.constant 1024 : i32
    %broadcast_in_dim3A_105 = vector.broadcast %jit3A_104 : i32 to vector<8x1024xi32>
    %select_n3A_106 = arith.select %eq3A_103, %iota3A, %broadcast_in_dim3A_105 : vector<8x1024xi1>, vector<8x1024xi32>
    %reduce_min3A_107 = arith.constant dense<2147483647> : vector<8xi32>
    %reduce_min3A_108 = vector.multi_reduction <minsi>, %select_n3A_106, %reduce_min3A_107 [1] : vector<8x1024xi32> to vector<8xi32>
    %broadcast_in_dim3A_109 = vector.shape_cast %reduce_min3A_108 : vector<8xi32> to vector<8x1xi32>
    %eq3A_110 = vector.broadcast %broadcast_in_dim3A_109 : vector<8x1xi32> to vector<8x1024xi32>
    %eq3A_111 = arith.cmpi eq, %iota3A, %eq3A_110 : vector<8x1024xi32>
    %jit3A_112 = arith.constant 0xFF800000 : f32
    %broadcast_in_dim3A_113 = vector.broadcast %jit3A_112 : f32 to vector<8x1024xf32>
    %select_n3A_114 = arith.select %eq3A_111, %broadcast_in_dim3A_113, %select_n3A_98 : vector<8x1024xi1>, vector<8x1024xf32>
    %reduce_max3A_115 = arith.constant dense<0xFF800000> : vector<8xf32>
    %reduce_max3A_116 = vector.multi_reduction <maximumf>, %select_n3A_114, %reduce_max3A_115 [1] : vector<8x1024xf32> to vector<8xf32>
    %broadcast_in_dim3A_117 = vector.shape_cast %reduce_max3A_116 : vector<8xf32> to vector<8x1xf32>
    %eq3A_118 = vector.broadcast %broadcast_in_dim3A_117 : vector<8x1xf32> to vector<8x1024xf32>
    %eq3A_119 = arith.cmpf oeq, %select_n3A_114, %eq3A_118 : vector<8x1024xf32>
    %jit3A_120 = arith.constant 1024 : i32
    %broadcast_in_dim3A_121 = vector.broadcast %jit3A_120 : i32 to vector<8x1024xi32>
    %select_n3A_122 = arith.select %eq3A_119, %iota3A, %broadcast_in_dim3A_121 : vector<8x1024xi1>, vector<8x1024xi32>
    %reduce_min3A_123 = arith.constant dense<2147483647> : vector<8xi32>
    %reduce_min3A_124 = vector.multi_reduction <minsi>, %select_n3A_122, %reduce_min3A_123 [1] : vector<8x1024xi32> to vector<8xi32>
    %broadcast_in_dim3A_125 = vector.shape_cast %reduce_min3A_124 : vector<8xi32> to vector<8x1xi32>
    %eq3A_126 = vector.broadcast %broadcast_in_dim3A_125 : vector<8x1xi32> to vector<8x1024xi32>
    %eq3A_127 = arith.cmpi eq, %iota3A, %eq3A_126 : vector<8x1024xi32>
    %jit3A_128 = arith.constant 0xFF800000 : f32
    %broadcast_in_dim3A_129 = vector.broadcast %jit3A_128 : f32 to vector<8x1024xf32>
    %select_n3A_130 = arith.select %eq3A_127, %broadcast_in_dim3A_129, %select_n3A_114 : vector<8x1024xi1>, vector<8x1024xf32>
    %reduce_max3A_131 = arith.constant dense<0xFF800000> : vector<8xf32>
    %reduce_max3A_132 = vector.multi_reduction <maximumf>, %select_n3A_130, %reduce_max3A_131 [1] : vector<8x1024xf32> to vector<8xf32>
    %broadcast_in_dim3A_133 = vector.shape_cast %reduce_max3A_132 : vector<8xf32> to vector<8x1xf32>
    %eq3A_134 = vector.broadcast %broadcast_in_dim3A_133 : vector<8x1xf32> to vector<8x1024xf32>
    %eq3A_135 = arith.cmpf oeq, %select_n3A_130, %eq3A_134 : vector<8x1024xf32>
    %jit3A_136 = arith.constant 1024 : i32
    %broadcast_in_dim3A_137 = vector.broadcast %jit3A_136 : i32 to vector<8x1024xi32>
    %select_n3A_138 = arith.select %eq3A_135, %iota3A, %broadcast_in_dim3A_137 : vector<8x1024xi1>, vector<8x1024xi32>
    %reduce_min3A_139 = arith.constant dense<2147483647> : vector<8xi32>
    %reduce_min3A_140 = vector.multi_reduction <minsi>, %select_n3A_138, %reduce_min3A_139 [1] : vector<8x1024xi32> to vector<8xi32>
    %broadcast_in_dim3A_141 = vector.shape_cast %reduce_min3A_140 : vector<8xi32> to vector<8x1xi32>
    %eq3A_142 = vector.broadcast %broadcast_in_dim3A_141 : vector<8x1xi32> to vector<8x1024xi32>
    %eq3A_143 = arith.cmpi eq, %iota3A, %eq3A_142 : vector<8x1024xi32>
    %jit3A_144 = arith.constant 0xFF800000 : f32
    %broadcast_in_dim3A_145 = vector.broadcast %jit3A_144 : f32 to vector<8x1024xf32>
    %select_n3A_146 = arith.select %eq3A_143, %broadcast_in_dim3A_145, %select_n3A_130 : vector<8x1024xi1>, vector<8x1024xf32>
    %reduce_max3A_147 = arith.constant dense<0xFF800000> : vector<8xf32>
    %reduce_max3A_148 = vector.multi_reduction <maximumf>, %select_n3A_146, %reduce_max3A_147 [1] : vector<8x1024xf32> to vector<8xf32>
    %broadcast_in_dim3A_149 = vector.shape_cast %reduce_max3A_148 : vector<8xf32> to vector<8x1xf32>
    %eq3A_150 = vector.broadcast %broadcast_in_dim3A_149 : vector<8x1xf32> to vector<8x1024xf32>
    %eq3A_151 = arith.cmpf oeq, %select_n3A_146, %eq3A_150 : vector<8x1024xf32>
    %jit3A_152 = arith.constant 1024 : i32
    %broadcast_in_dim3A_153 = vector.broadcast %jit3A_152 : i32 to vector<8x1024xi32>
    %select_n3A_154 = arith.select %eq3A_151, %iota3A, %broadcast_in_dim3A_153 : vector<8x1024xi1>, vector<8x1024xi32>
    %reduce_min3A_155 = arith.constant dense<2147483647> : vector<8xi32>
    %reduce_min3A_156 = vector.multi_reduction <minsi>, %select_n3A_154, %reduce_min3A_155 [1] : vector<8x1024xi32> to vector<8xi32>
    %broadcast_in_dim3A_157 = vector.shape_cast %reduce_min3A_156 : vector<8xi32> to vector<8x1xi32>
    %eq3A_158 = vector.broadcast %broadcast_in_dim3A_157 : vector<8x1xi32> to vector<8x1024xi32>
    %eq3A_159 = arith.cmpi eq, %iota3A, %eq3A_158 : vector<8x1024xi32>
    %jit3A_160 = arith.constant 0xFF800000 : f32
    %broadcast_in_dim3A_161 = vector.broadcast %jit3A_160 : f32 to vector<8x1024xf32>
    %select_n3A_162 = arith.select %eq3A_159, %broadcast_in_dim3A_161, %select_n3A_146 : vector<8x1024xi1>, vector<8x1024xf32>
    %reduce_max3A_163 = arith.constant dense<0xFF800000> : vector<8xf32>
    %reduce_max3A_164 = vector.multi_reduction <maximumf>, %select_n3A_162, %reduce_max3A_163 [1] : vector<8x1024xf32> to vector<8xf32>
    %broadcast_in_dim3A_165 = vector.shape_cast %reduce_max3A_164 : vector<8xf32> to vector<8x1xf32>
    %eq3A_166 = vector.broadcast %broadcast_in_dim3A_165 : vector<8x1xf32> to vector<8x1024xf32>
    %eq3A_167 = arith.cmpf oeq, %select_n3A_162, %eq3A_166 : vector<8x1024xf32>
    %jit3A_168 = arith.constant 1024 : i32
    %broadcast_in_dim3A_169 = vector.broadcast %jit3A_168 : i32 to vector<8x1024xi32>
    %select_n3A_170 = arith.select %eq3A_167, %iota3A, %broadcast_in_dim3A_169 : vector<8x1024xi1>, vector<8x1024xi32>
    %reduce_min3A_171 = arith.constant dense<2147483647> : vector<8xi32>
    %reduce_min3A_172 = vector.multi_reduction <minsi>, %select_n3A_170, %reduce_min3A_171 [1] : vector<8x1024xi32> to vector<8xi32>
    %broadcast_in_dim3A_173 = vector.shape_cast %reduce_min3A_172 : vector<8xi32> to vector<8x1xi32>
    %eq3A_174 = vector.broadcast %broadcast_in_dim3A_173 : vector<8x1xi32> to vector<8x1024xi32>
    %eq3A_175 = arith.cmpi eq, %iota3A, %eq3A_174 : vector<8x1024xi32>
    %jit3A_176 = arith.constant 0xFF800000 : f32
    %broadcast_in_dim3A_177 = vector.broadcast %jit3A_176 : f32 to vector<8x1024xf32>
    %select_n3A_178 = arith.select %eq3A_175, %broadcast_in_dim3A_177, %select_n3A_162 : vector<8x1024xi1>, vector<8x1024xf32>
    %reduce_max3A_179 = arith.constant dense<0xFF800000> : vector<8xf32>
    %reduce_max3A_180 = vector.multi_reduction <maximumf>, %select_n3A_178, %reduce_max3A_179 [1] : vector<8x1024xf32> to vector<8xf32>
    %broadcast_in_dim3A_181 = vector.shape_cast %reduce_max3A_180 : vector<8xf32> to vector<8x1xf32>
    %eq3A_182 = vector.broadcast %broadcast_in_dim3A_181 : vector<8x1xf32> to vector<8x1024xf32>
    %eq3A_183 = arith.cmpf oeq, %select_n3A_178, %eq3A_182 : vector<8x1024xf32>
    %jit3A_184 = arith.constant 1024 : i32
    %broadcast_in_dim3A_185 = vector.broadcast %jit3A_184 : i32 to vector<8x1024xi32>
    %select_n3A_186 = arith.select %eq3A_183, %iota3A, %broadcast_in_dim3A_185 : vector<8x1024xi1>, vector<8x1024xi32>
    %reduce_min3A_187 = arith.constant dense<2147483647> : vector<8xi32>
    %reduce_min3A_188 = vector.multi_reduction <minsi>, %select_n3A_186, %reduce_min3A_187 [1] : vector<8x1024xi32> to vector<8xi32>
    %broadcast_in_dim3A_189 = vector.shape_cast %reduce_min3A_188 : vector<8xi32> to vector<8x1xi32>
    %eq3A_190 = vector.broadcast %broadcast_in_dim3A_189 : vector<8x1xi32> to vector<8x1024xi32>
    %eq3A_191 = arith.cmpi eq, %iota3A, %eq3A_190 : vector<8x1024xi32>
    %jit3A_192 = arith.constant 0xFF800000 : f32
    %broadcast_in_dim3A_193 = vector.broadcast %jit3A_192 : f32 to vector<8x1024xf32>
    %select_n3A_194 = arith.select %eq3A_191, %broadcast_in_dim3A_193, %select_n3A_178 : vector<8x1024xi1>, vector<8x1024xf32>
    %reduce_max3A_195 = arith.constant dense<0xFF800000> : vector<8xf32>
    %reduce_max3A_196 = vector.multi_reduction <maximumf>, %select_n3A_194, %reduce_max3A_195 [1] : vector<8x1024xf32> to vector<8xf32>
    %broadcast_in_dim3A_197 = vector.shape_cast %reduce_max3A_196 : vector<8xf32> to vector<8x1xf32>
    %eq3A_198 = vector.broadcast %broadcast_in_dim3A_197 : vector<8x1xf32> to vector<8x1024xf32>
    %eq3A_199 = arith.cmpf oeq, %select_n3A_194, %eq3A_198 : vector<8x1024xf32>
    %jit3A_200 = arith.constant 1024 : i32
    %broadcast_in_dim3A_201 = vector.broadcast %jit3A_200 : i32 to vector<8x1024xi32>
    %select_n3A_202 = arith.select %eq3A_199, %iota3A, %broadcast_in_dim3A_201 : vector<8x1024xi1>, vector<8x1024xi32>
    %reduce_min3A_203 = arith.constant dense<2147483647> : vector<8xi32>
    %reduce_min3A_204 = vector.multi_reduction <minsi>, %select_n3A_202, %reduce_min3A_203 [1] : vector<8x1024xi32> to vector<8xi32>
    %broadcast_in_dim3A_205 = vector.shape_cast %reduce_min3A_204 : vector<8xi32> to vector<8x1xi32>
    %eq3A_206 = vector.broadcast %broadcast_in_dim3A_205 : vector<8x1xi32> to vector<8x1024xi32>
    %eq3A_207 = arith.cmpi eq, %iota3A, %eq3A_206 : vector<8x1024xi32>
    %jit3A_208 = arith.constant 0xFF800000 : f32
    %broadcast_in_dim3A_209 = vector.broadcast %jit3A_208 : f32 to vector<8x1024xf32>
    %select_n3A_210 = arith.select %eq3A_207, %broadcast_in_dim3A_209, %select_n3A_194 : vector<8x1024xi1>, vector<8x1024xf32>
    %reduce_max3A_211 = arith.constant dense<0xFF800000> : vector<8xf32>
    %reduce_max3A_212 = vector.multi_reduction <maximumf>, %select_n3A_210, %reduce_max3A_211 [1] : vector<8x1024xf32> to vector<8xf32>
    %broadcast_in_dim3A_213 = vector.shape_cast %reduce_max3A_212 : vector<8xf32> to vector<8x1xf32>
    %eq3A_214 = vector.broadcast %broadcast_in_dim3A_213 : vector<8x1xf32> to vector<8x1024xf32>
    %eq3A_215 = arith.cmpf oeq, %select_n3A_210, %eq3A_214 : vector<8x1024xf32>
    %jit3A_216 = arith.constant 1024 : i32
    %broadcast_in_dim3A_217 = vector.broadcast %jit3A_216 : i32 to vector<8x1024xi32>
    %select_n3A_218 = arith.select %eq3A_215, %iota3A, %broadcast_in_dim3A_217 : vector<8x1024xi1>, vector<8x1024xi32>
    %reduce_min3A_219 = arith.constant dense<2147483647> : vector<8xi32>
    %reduce_min3A_220 = vector.multi_reduction <minsi>, %select_n3A_218, %reduce_min3A_219 [1] : vector<8x1024xi32> to vector<8xi32>
    %broadcast_in_dim3A_221 = vector.shape_cast %reduce_min3A_220 : vector<8xi32> to vector<8x1xi32>
    %eq3A_222 = vector.broadcast %broadcast_in_dim3A_221 : vector<8x1xi32> to vector<8x1024xi32>
    %eq3A_223 = arith.cmpi eq, %iota3A, %eq3A_222 : vector<8x1024xi32>
    %jit3A_224 = arith.constant 0xFF800000 : f32
    %broadcast_in_dim3A_225 = vector.broadcast %jit3A_224 : f32 to vector<8x1024xf32>
    %select_n3A_226 = arith.select %eq3A_223, %broadcast_in_dim3A_225, %select_n3A_210 : vector<8x1024xi1>, vector<8x1024xf32>
    %reduce_max3A_227 = arith.constant dense<0xFF800000> : vector<8xf32>
    %reduce_max3A_228 = vector.multi_reduction <maximumf>, %select_n3A_226, %reduce_max3A_227 [1] : vector<8x1024xf32> to vector<8xf32>
    %broadcast_in_dim3A_229 = vector.shape_cast %reduce_max3A_228 : vector<8xf32> to vector<8x1xf32>
    %eq3A_230 = vector.broadcast %broadcast_in_dim3A_229 : vector<8x1xf32> to vector<8x1024xf32>
    %eq3A_231 = arith.cmpf oeq, %select_n3A_226, %eq3A_230 : vector<8x1024xf32>
    %jit3A_232 = arith.constant 1024 : i32
    %broadcast_in_dim3A_233 = vector.broadcast %jit3A_232 : i32 to vector<8x1024xi32>
    %select_n3A_234 = arith.select %eq3A_231, %iota3A, %broadcast_in_dim3A_233 : vector<8x1024xi1>, vector<8x1024xi32>
    %reduce_min3A_235 = arith.constant dense<2147483647> : vector<8xi32>
    %reduce_min3A_236 = vector.multi_reduction <minsi>, %select_n3A_234, %reduce_min3A_235 [1] : vector<8x1024xi32> to vector<8xi32>
    %broadcast_in_dim3A_237 = vector.shape_cast %reduce_min3A_236 : vector<8xi32> to vector<8x1xi32>
    %eq3A_238 = vector.broadcast %broadcast_in_dim3A_237 : vector<8x1xi32> to vector<8x1024xi32>
    %eq3A_239 = arith.cmpi eq, %iota3A, %eq3A_238 : vector<8x1024xi32>
    %jit3A_240 = arith.constant 0xFF800000 : f32
    %broadcast_in_dim3A_241 = vector.broadcast %jit3A_240 : f32 to vector<8x1024xf32>
    %select_n3A_242 = arith.select %eq3A_239, %broadcast_in_dim3A_241, %select_n3A_226 : vector<8x1024xi1>, vector<8x1024xf32>
    %reduce_max3A_243 = arith.constant dense<0xFF800000> : vector<8xf32>
    %reduce_max3A_244 = vector.multi_reduction <maximumf>, %select_n3A_242, %reduce_max3A_243 [1] : vector<8x1024xf32> to vector<8xf32>
    %broadcast_in_dim3A_245 = vector.shape_cast %reduce_max3A_244 : vector<8xf32> to vector<8x1xf32>
    %eq3A_246 = vector.broadcast %broadcast_in_dim3A_245 : vector<8x1xf32> to vector<8x1024xf32>
    %eq3A_247 = arith.cmpf oeq, %select_n3A_242, %eq3A_246 : vector<8x1024xf32>
    %jit3A_248 = arith.constant 1024 : i32
    %broadcast_in_dim3A_249 = vector.broadcast %jit3A_248 : i32 to vector<8x1024xi32>
    %select_n3A_250 = arith.select %eq3A_247, %iota3A, %broadcast_in_dim3A_249 : vector<8x1024xi1>, vector<8x1024xi32>
    %reduce_min3A_251 = arith.constant dense<2147483647> : vector<8xi32>
    %reduce_min3A_252 = vector.multi_reduction <minsi>, %select_n3A_250, %reduce_min3A_251 [1] : vector<8x1024xi32> to vector<8xi32>
    %broadcast_in_dim3A_253 = vector.shape_cast %reduce_min3A_252 : vector<8xi32> to vector<8x1xi32>
    %eq3A_254 = vector.broadcast %broadcast_in_dim3A_253 : vector<8x1xi32> to vector<8x1024xi32>
    %eq3A_255 = arith.cmpi eq, %iota3A, %eq3A_254 : vector<8x1024xi32>
    %jit3A_256 = arith.constant 0xFF800000 : f32
    %broadcast_in_dim3A_257 = vector.broadcast %jit3A_256 : f32 to vector<8x1024xf32>
    %select_n3A_258 = arith.select %eq3A_255, %broadcast_in_dim3A_257, %select_n3A_242 : vector<8x1024xi1>, vector<8x1024xf32>
    %reduce_max3A_259 = arith.constant dense<0xFF800000> : vector<8xf32>
    %reduce_max3A_260 = vector.multi_reduction <maximumf>, %select_n3A_258, %reduce_max3A_259 [1] : vector<8x1024xf32> to vector<8xf32>
    %broadcast_in_dim3A_261 = vector.shape_cast %reduce_max3A_260 : vector<8xf32> to vector<8x1xf32>
    %eq3A_262 = vector.broadcast %broadcast_in_dim3A_261 : vector<8x1xf32> to vector<8x1024xf32>
    %eq3A_263 = arith.cmpf oeq, %select_n3A_258, %eq3A_262 : vector<8x1024xf32>
    %jit3A_264 = arith.constant 1024 : i32
    %broadcast_in_dim3A_265 = vector.broadcast %jit3A_264 : i32 to vector<8x1024xi32>
    %select_n3A_266 = arith.select %eq3A_263, %iota3A, %broadcast_in_dim3A_265 : vector<8x1024xi1>, vector<8x1024xi32>
    %reduce_min3A_267 = arith.constant dense<2147483647> : vector<8xi32>
    %reduce_min3A_268 = vector.multi_reduction <minsi>, %select_n3A_266, %reduce_min3A_267 [1] : vector<8x1024xi32> to vector<8xi32>
    %broadcast_in_dim3A_269 = vector.shape_cast %reduce_min3A_268 : vector<8xi32> to vector<8x1xi32>
    %eq3A_270 = vector.broadcast %broadcast_in_dim3A_269 : vector<8x1xi32> to vector<8x1024xi32>
    %eq3A_271 = arith.cmpi eq, %iota3A, %eq3A_270 : vector<8x1024xi32>
    %jit3A_272 = arith.constant 0xFF800000 : f32
    %broadcast_in_dim3A_273 = vector.broadcast %jit3A_272 : f32 to vector<8x1024xf32>
    %select_n3A_274 = arith.select %eq3A_271, %broadcast_in_dim3A_273, %select_n3A_258 : vector<8x1024xi1>, vector<8x1024xf32>
    %reduce_max3A_275 = arith.constant dense<0xFF800000> : vector<8xf32>
    %reduce_max3A_276 = vector.multi_reduction <maximumf>, %select_n3A_274, %reduce_max3A_275 [1] : vector<8x1024xf32> to vector<8xf32>
    %broadcast_in_dim3A_277 = vector.shape_cast %reduce_max3A_276 : vector<8xf32> to vector<8x1xf32>
    %eq3A_278 = vector.broadcast %broadcast_in_dim3A_277 : vector<8x1xf32> to vector<8x1024xf32>
    %eq3A_279 = arith.cmpf oeq, %select_n3A_274, %eq3A_278 : vector<8x1024xf32>
    %jit3A_280 = arith.constant 1024 : i32
    %broadcast_in_dim3A_281 = vector.broadcast %jit3A_280 : i32 to vector<8x1024xi32>
    %select_n3A_282 = arith.select %eq3A_279, %iota3A, %broadcast_in_dim3A_281 : vector<8x1024xi1>, vector<8x1024xi32>
    %reduce_min3A_283 = arith.constant dense<2147483647> : vector<8xi32>
    %reduce_min3A_284 = vector.multi_reduction <minsi>, %select_n3A_282, %reduce_min3A_283 [1] : vector<8x1024xi32> to vector<8xi32>
    %broadcast_in_dim3A_285 = vector.shape_cast %reduce_min3A_284 : vector<8xi32> to vector<8x1xi32>
    %eq3A_286 = vector.broadcast %broadcast_in_dim3A_285 : vector<8x1xi32> to vector<8x1024xi32>
    %eq3A_287 = arith.cmpi eq, %iota3A, %eq3A_286 : vector<8x1024xi32>
    %jit3A_288 = arith.constant 0xFF800000 : f32
    %broadcast_in_dim3A_289 = vector.broadcast %jit3A_288 : f32 to vector<8x1024xf32>
    %select_n3A_290 = arith.select %eq3A_287, %broadcast_in_dim3A_289, %select_n3A_274 : vector<8x1024xi1>, vector<8x1024xf32>
    %reduce_max3A_291 = arith.constant dense<0xFF800000> : vector<8xf32>
    %reduce_max3A_292 = vector.multi_reduction <maximumf>, %select_n3A_290, %reduce_max3A_291 [1] : vector<8x1024xf32> to vector<8xf32>
    %broadcast_in_dim3A_293 = vector.shape_cast %reduce_max3A_292 : vector<8xf32> to vector<8x1xf32>
    %eq3A_294 = vector.broadcast %broadcast_in_dim3A_293 : vector<8x1xf32> to vector<8x1024xf32>
    %eq3A_295 = arith.cmpf oeq, %select_n3A_290, %eq3A_294 : vector<8x1024xf32>
    %jit3A_296 = arith.constant 1024 : i32
    %broadcast_in_dim3A_297 = vector.broadcast %jit3A_296 : i32 to vector<8x1024xi32>
    %select_n3A_298 = arith.select %eq3A_295, %iota3A, %broadcast_in_dim3A_297 : vector<8x1024xi1>, vector<8x1024xi32>
    %reduce_min3A_299 = arith.constant dense<2147483647> : vector<8xi32>
    %reduce_min3A_300 = vector.multi_reduction <minsi>, %select_n3A_298, %reduce_min3A_299 [1] : vector<8x1024xi32> to vector<8xi32>
    %broadcast_in_dim3A_301 = vector.shape_cast %reduce_min3A_300 : vector<8xi32> to vector<8x1xi32>
    %eq3A_302 = vector.broadcast %broadcast_in_dim3A_301 : vector<8x1xi32> to vector<8x1024xi32>
    %eq3A_303 = arith.cmpi eq, %iota3A, %eq3A_302 : vector<8x1024xi32>
    %jit3A_304 = arith.constant 0xFF800000 : f32
    %broadcast_in_dim3A_305 = vector.broadcast %jit3A_304 : f32 to vector<8x1024xf32>
    %select_n3A_306 = arith.select %eq3A_303, %broadcast_in_dim3A_305, %select_n3A_290 : vector<8x1024xi1>, vector<8x1024xf32>
    %reduce_max3A_307 = arith.constant dense<0xFF800000> : vector<8xf32>
    %reduce_max3A_308 = vector.multi_reduction <maximumf>, %select_n3A_306, %reduce_max3A_307 [1] : vector<8x1024xf32> to vector<8xf32>
    %broadcast_in_dim3A_309 = vector.shape_cast %reduce_max3A_308 : vector<8xf32> to vector<8x1xf32>
    %eq3A_310 = vector.broadcast %broadcast_in_dim3A_309 : vector<8x1xf32> to vector<8x1024xf32>
    %eq3A_311 = arith.cmpf oeq, %select_n3A_306, %eq3A_310 : vector<8x1024xf32>
    %jit3A_312 = arith.constant 1024 : i32
    %broadcast_in_dim3A_313 = vector.broadcast %jit3A_312 : i32 to vector<8x1024xi32>
    %select_n3A_314 = arith.select %eq3A_311, %iota3A, %broadcast_in_dim3A_313 : vector<8x1024xi1>, vector<8x1024xi32>
    %reduce_min3A_315 = arith.constant dense<2147483647> : vector<8xi32>
    %reduce_min3A_316 = vector.multi_reduction <minsi>, %select_n3A_314, %reduce_min3A_315 [1] : vector<8x1024xi32> to vector<8xi32>
    %broadcast_in_dim3A_317 = vector.shape_cast %reduce_min3A_316 : vector<8xi32> to vector<8x1xi32>
    %eq3A_318 = vector.broadcast %broadcast_in_dim3A_317 : vector<8x1xi32> to vector<8x1024xi32>
    %eq3A_319 = arith.cmpi eq, %iota3A, %eq3A_318 : vector<8x1024xi32>
    %jit3A_320 = arith.constant 0xFF800000 : f32
    %broadcast_in_dim3A_321 = vector.broadcast %jit3A_320 : f32 to vector<8x1024xf32>
    %select_n3A_322 = arith.select %eq3A_319, %broadcast_in_dim3A_321, %select_n3A_306 : vector<8x1024xi1>, vector<8x1024xf32>
    %reduce_max3A_323 = arith.constant dense<0xFF800000> : vector<8xf32>
    %reduce_max3A_324 = vector.multi_reduction <maximumf>, %select_n3A_322, %reduce_max3A_323 [1] : vector<8x1024xf32> to vector<8xf32>
    %broadcast_in_dim3A_325 = vector.shape_cast %reduce_max3A_324 : vector<8xf32> to vector<8x1xf32>
    %eq3A_326 = vector.broadcast %broadcast_in_dim3A_325 : vector<8x1xf32> to vector<8x1024xf32>
    %eq3A_327 = arith.cmpf oeq, %select_n3A_322, %eq3A_326 : vector<8x1024xf32>
    %jit3A_328 = arith.constant 1024 : i32
    %broadcast_in_dim3A_329 = vector.broadcast %jit3A_328 : i32 to vector<8x1024xi32>
    %select_n3A_330 = arith.select %eq3A_327, %iota3A, %broadcast_in_dim3A_329 : vector<8x1024xi1>, vector<8x1024xi32>
    %reduce_min3A_331 = arith.constant dense<2147483647> : vector<8xi32>
    %reduce_min3A_332 = vector.multi_reduction <minsi>, %select_n3A_330, %reduce_min3A_331 [1] : vector<8x1024xi32> to vector<8xi32>
    %broadcast_in_dim3A_333 = vector.shape_cast %reduce_min3A_332 : vector<8xi32> to vector<8x1xi32>
    %eq3A_334 = vector.broadcast %broadcast_in_dim3A_333 : vector<8x1xi32> to vector<8x1024xi32>
    %eq3A_335 = arith.cmpi eq, %iota3A, %eq3A_334 : vector<8x1024xi32>
    %jit3A_336 = arith.constant 0xFF800000 : f32
    %broadcast_in_dim3A_337 = vector.broadcast %jit3A_336 : f32 to vector<8x1024xf32>
    %select_n3A_338 = arith.select %eq3A_335, %broadcast_in_dim3A_337, %select_n3A_322 : vector<8x1024xi1>, vector<8x1024xf32>
    %reduce_max3A_339 = arith.constant dense<0xFF800000> : vector<8xf32>
    %reduce_max3A_340 = vector.multi_reduction <maximumf>, %select_n3A_338, %reduce_max3A_339 [1] : vector<8x1024xf32> to vector<8xf32>
    %broadcast_in_dim3A_341 = vector.shape_cast %reduce_max3A_340 : vector<8xf32> to vector<8x1xf32>
    %eq3A_342 = vector.broadcast %broadcast_in_dim3A_341 : vector<8x1xf32> to vector<8x1024xf32>
    %eq3A_343 = arith.cmpf oeq, %select_n3A_338, %eq3A_342 : vector<8x1024xf32>
    %jit3A_344 = arith.constant 1024 : i32
    %broadcast_in_dim3A_345 = vector.broadcast %jit3A_344 : i32 to vector<8x1024xi32>
    %select_n3A_346 = arith.select %eq3A_343, %iota3A, %broadcast_in_dim3A_345 : vector<8x1024xi1>, vector<8x1024xi32>
    %reduce_min3A_347 = arith.constant dense<2147483647> : vector<8xi32>
    %reduce_min3A_348 = vector.multi_reduction <minsi>, %select_n3A_346, %reduce_min3A_347 [1] : vector<8x1024xi32> to vector<8xi32>
    %broadcast_in_dim3A_349 = vector.shape_cast %reduce_min3A_348 : vector<8xi32> to vector<8x1xi32>
    %eq3A_350 = vector.broadcast %broadcast_in_dim3A_349 : vector<8x1xi32> to vector<8x1024xi32>
    %eq3A_351 = arith.cmpi eq, %iota3A, %eq3A_350 : vector<8x1024xi32>
    %jit3A_352 = arith.constant 0xFF800000 : f32
    %broadcast_in_dim3A_353 = vector.broadcast %jit3A_352 : f32 to vector<8x1024xf32>
    %select_n3A_354 = arith.select %eq3A_351, %broadcast_in_dim3A_353, %select_n3A_338 : vector<8x1024xi1>, vector<8x1024xf32>
    %reduce_max3A_355 = arith.constant dense<0xFF800000> : vector<8xf32>
    %reduce_max3A_356 = vector.multi_reduction <maximumf>, %select_n3A_354, %reduce_max3A_355 [1] : vector<8x1024xf32> to vector<8xf32>
    %broadcast_in_dim3A_357 = vector.shape_cast %reduce_max3A_356 : vector<8xf32> to vector<8x1xf32>
    %eq3A_358 = vector.broadcast %broadcast_in_dim3A_357 : vector<8x1xf32> to vector<8x1024xf32>
    %eq3A_359 = arith.cmpf oeq, %select_n3A_354, %eq3A_358 : vector<8x1024xf32>
    %jit3A_360 = arith.constant 1024 : i32
    %broadcast_in_dim3A_361 = vector.broadcast %jit3A_360 : i32 to vector<8x1024xi32>
    %select_n3A_362 = arith.select %eq3A_359, %iota3A, %broadcast_in_dim3A_361 : vector<8x1024xi1>, vector<8x1024xi32>
    %reduce_min3A_363 = arith.constant dense<2147483647> : vector<8xi32>
    %reduce_min3A_364 = vector.multi_reduction <minsi>, %select_n3A_362, %reduce_min3A_363 [1] : vector<8x1024xi32> to vector<8xi32>
    %broadcast_in_dim3A_365 = vector.shape_cast %reduce_min3A_364 : vector<8xi32> to vector<8x1xi32>
    %eq3A_366 = vector.broadcast %broadcast_in_dim3A_365 : vector<8x1xi32> to vector<8x1024xi32>
    %eq3A_367 = arith.cmpi eq, %iota3A, %eq3A_366 : vector<8x1024xi32>
    %jit3A_368 = arith.constant 0xFF800000 : f32
    %broadcast_in_dim3A_369 = vector.broadcast %jit3A_368 : f32 to vector<8x1024xf32>
    %select_n3A_370 = arith.select %eq3A_367, %broadcast_in_dim3A_369, %select_n3A_354 : vector<8x1024xi1>, vector<8x1024xf32>
    %reduce_max3A_371 = arith.constant dense<0xFF800000> : vector<8xf32>
    %reduce_max3A_372 = vector.multi_reduction <maximumf>, %select_n3A_370, %reduce_max3A_371 [1] : vector<8x1024xf32> to vector<8xf32>
    %broadcast_in_dim3A_373 = vector.shape_cast %reduce_max3A_372 : vector<8xf32> to vector<8x1xf32>
    %eq3A_374 = vector.broadcast %broadcast_in_dim3A_373 : vector<8x1xf32> to vector<8x1024xf32>
    %eq3A_375 = arith.cmpf oeq, %select_n3A_370, %eq3A_374 : vector<8x1024xf32>
    %jit3A_376 = arith.constant 1024 : i32
    %broadcast_in_dim3A_377 = vector.broadcast %jit3A_376 : i32 to vector<8x1024xi32>
    %select_n3A_378 = arith.select %eq3A_375, %iota3A, %broadcast_in_dim3A_377 : vector<8x1024xi1>, vector<8x1024xi32>
    %reduce_min3A_379 = arith.constant dense<2147483647> : vector<8xi32>
    %reduce_min3A_380 = vector.multi_reduction <minsi>, %select_n3A_378, %reduce_min3A_379 [1] : vector<8x1024xi32> to vector<8xi32>
    %broadcast_in_dim3A_381 = vector.shape_cast %reduce_min3A_380 : vector<8xi32> to vector<8x1xi32>
    %eq3A_382 = vector.broadcast %broadcast_in_dim3A_381 : vector<8x1xi32> to vector<8x1024xi32>
    %eq3A_383 = arith.cmpi eq, %iota3A, %eq3A_382 : vector<8x1024xi32>
    %jit3A_384 = arith.constant 0xFF800000 : f32
    %broadcast_in_dim3A_385 = vector.broadcast %jit3A_384 : f32 to vector<8x1024xf32>
    %select_n3A_386 = arith.select %eq3A_383, %broadcast_in_dim3A_385, %select_n3A_370 : vector<8x1024xi1>, vector<8x1024xf32>
    %reduce_max3A_387 = arith.constant dense<0xFF800000> : vector<8xf32>
    %reduce_max3A_388 = vector.multi_reduction <maximumf>, %select_n3A_386, %reduce_max3A_387 [1] : vector<8x1024xf32> to vector<8xf32>
    %broadcast_in_dim3A_389 = vector.shape_cast %reduce_max3A_388 : vector<8xf32> to vector<8x1xf32>
    %eq3A_390 = vector.broadcast %broadcast_in_dim3A_389 : vector<8x1xf32> to vector<8x1024xf32>
    %eq3A_391 = arith.cmpf oeq, %select_n3A_386, %eq3A_390 : vector<8x1024xf32>
    %jit3A_392 = arith.constant 1024 : i32
    %broadcast_in_dim3A_393 = vector.broadcast %jit3A_392 : i32 to vector<8x1024xi32>
    %select_n3A_394 = arith.select %eq3A_391, %iota3A, %broadcast_in_dim3A_393 : vector<8x1024xi1>, vector<8x1024xi32>
    %reduce_min3A_395 = arith.constant dense<2147483647> : vector<8xi32>
    %reduce_min3A_396 = vector.multi_reduction <minsi>, %select_n3A_394, %reduce_min3A_395 [1] : vector<8x1024xi32> to vector<8xi32>
    %broadcast_in_dim3A_397 = vector.shape_cast %reduce_min3A_396 : vector<8xi32> to vector<8x1xi32>
    %eq3A_398 = vector.broadcast %broadcast_in_dim3A_397 : vector<8x1xi32> to vector<8x1024xi32>
    %eq3A_399 = arith.cmpi eq, %iota3A, %eq3A_398 : vector<8x1024xi32>
    %jit3A_400 = arith.constant 0xFF800000 : f32
    %broadcast_in_dim3A_401 = vector.broadcast %jit3A_400 : f32 to vector<8x1024xf32>
    %select_n3A_402 = arith.select %eq3A_399, %broadcast_in_dim3A_401, %select_n3A_386 : vector<8x1024xi1>, vector<8x1024xf32>
    %reduce_max3A_403 = arith.constant dense<0xFF800000> : vector<8xf32>
    %reduce_max3A_404 = vector.multi_reduction <maximumf>, %select_n3A_402, %reduce_max3A_403 [1] : vector<8x1024xf32> to vector<8xf32>
    %broadcast_in_dim3A_405 = vector.shape_cast %reduce_max3A_404 : vector<8xf32> to vector<8x1xf32>
    %eq3A_406 = vector.broadcast %broadcast_in_dim3A_405 : vector<8x1xf32> to vector<8x1024xf32>
    %eq3A_407 = arith.cmpf oeq, %select_n3A_402, %eq3A_406 : vector<8x1024xf32>
    %jit3A_408 = arith.constant 1024 : i32
    %broadcast_in_dim3A_409 = vector.broadcast %jit3A_408 : i32 to vector<8x1024xi32>
    %select_n3A_410 = arith.select %eq3A_407, %iota3A, %broadcast_in_dim3A_409 : vector<8x1024xi1>, vector<8x1024xi32>
    %reduce_min3A_411 = arith.constant dense<2147483647> : vector<8xi32>
    %reduce_min3A_412 = vector.multi_reduction <minsi>, %select_n3A_410, %reduce_min3A_411 [1] : vector<8x1024xi32> to vector<8xi32>
    %broadcast_in_dim3A_413 = vector.shape_cast %reduce_min3A_412 : vector<8xi32> to vector<8x1xi32>
    %eq3A_414 = vector.broadcast %broadcast_in_dim3A_413 : vector<8x1xi32> to vector<8x1024xi32>
    %eq3A_415 = arith.cmpi eq, %iota3A, %eq3A_414 : vector<8x1024xi32>
    %jit3A_416 = arith.constant 0xFF800000 : f32
    %broadcast_in_dim3A_417 = vector.broadcast %jit3A_416 : f32 to vector<8x1024xf32>
    %select_n3A_418 = arith.select %eq3A_415, %broadcast_in_dim3A_417, %select_n3A_402 : vector<8x1024xi1>, vector<8x1024xf32>
    %reduce_max3A_419 = arith.constant dense<0xFF800000> : vector<8xf32>
    %reduce_max3A_420 = vector.multi_reduction <maximumf>, %select_n3A_418, %reduce_max3A_419 [1] : vector<8x1024xf32> to vector<8xf32>
    %broadcast_in_dim3A_421 = vector.shape_cast %reduce_max3A_420 : vector<8xf32> to vector<8x1xf32>
    %eq3A_422 = vector.broadcast %broadcast_in_dim3A_421 : vector<8x1xf32> to vector<8x1024xf32>
    %eq3A_423 = arith.cmpf oeq, %select_n3A_418, %eq3A_422 : vector<8x1024xf32>
    %jit3A_424 = arith.constant 1024 : i32
    %broadcast_in_dim3A_425 = vector.broadcast %jit3A_424 : i32 to vector<8x1024xi32>
    %select_n3A_426 = arith.select %eq3A_423, %iota3A, %broadcast_in_dim3A_425 : vector<8x1024xi1>, vector<8x1024xi32>
    %reduce_min3A_427 = arith.constant dense<2147483647> : vector<8xi32>
    %reduce_min3A_428 = vector.multi_reduction <minsi>, %select_n3A_426, %reduce_min3A_427 [1] : vector<8x1024xi32> to vector<8xi32>
    %broadcast_in_dim3A_429 = vector.shape_cast %reduce_min3A_428 : vector<8xi32> to vector<8x1xi32>
    %eq3A_430 = vector.broadcast %broadcast_in_dim3A_429 : vector<8x1xi32> to vector<8x1024xi32>
    %eq3A_431 = arith.cmpi eq, %iota3A, %eq3A_430 : vector<8x1024xi32>
    %jit3A_432 = arith.constant 0xFF800000 : f32
    %broadcast_in_dim3A_433 = vector.broadcast %jit3A_432 : f32 to vector<8x1024xf32>
    %select_n3A_434 = arith.select %eq3A_431, %broadcast_in_dim3A_433, %select_n3A_418 : vector<8x1024xi1>, vector<8x1024xf32>
    %reduce_max3A_435 = arith.constant dense<0xFF800000> : vector<8xf32>
    %reduce_max3A_436 = vector.multi_reduction <maximumf>, %select_n3A_434, %reduce_max3A_435 [1] : vector<8x1024xf32> to vector<8xf32>
    %broadcast_in_dim3A_437 = vector.shape_cast %reduce_max3A_436 : vector<8xf32> to vector<8x1xf32>
    %eq3A_438 = vector.broadcast %broadcast_in_dim3A_437 : vector<8x1xf32> to vector<8x1024xf32>
    %eq3A_439 = arith.cmpf oeq, %select_n3A_434, %eq3A_438 : vector<8x1024xf32>
    %jit3A_440 = arith.constant 1024 : i32
    %broadcast_in_dim3A_441 = vector.broadcast %jit3A_440 : i32 to vector<8x1024xi32>
    %select_n3A_442 = arith.select %eq3A_439, %iota3A, %broadcast_in_dim3A_441 : vector<8x1024xi1>, vector<8x1024xi32>
    %reduce_min3A_443 = arith.constant dense<2147483647> : vector<8xi32>
    %reduce_min3A_444 = vector.multi_reduction <minsi>, %select_n3A_442, %reduce_min3A_443 [1] : vector<8x1024xi32> to vector<8xi32>
    %broadcast_in_dim3A_445 = vector.shape_cast %reduce_min3A_444 : vector<8xi32> to vector<8x1xi32>
    %eq3A_446 = vector.broadcast %broadcast_in_dim3A_445 : vector<8x1xi32> to vector<8x1024xi32>
    %eq3A_447 = arith.cmpi eq, %iota3A, %eq3A_446 : vector<8x1024xi32>
    %jit3A_448 = arith.constant 0xFF800000 : f32
    %broadcast_in_dim3A_449 = vector.broadcast %jit3A_448 : f32 to vector<8x1024xf32>
    %select_n3A_450 = arith.select %eq3A_447, %broadcast_in_dim3A_449, %select_n3A_434 : vector<8x1024xi1>, vector<8x1024xf32>
    %reduce_max3A_451 = arith.constant dense<0xFF800000> : vector<8xf32>
    %reduce_max3A_452 = vector.multi_reduction <maximumf>, %select_n3A_450, %reduce_max3A_451 [1] : vector<8x1024xf32> to vector<8xf32>
    %broadcast_in_dim3A_453 = vector.shape_cast %reduce_max3A_452 : vector<8xf32> to vector<8x1xf32>
    %eq3A_454 = vector.broadcast %broadcast_in_dim3A_453 : vector<8x1xf32> to vector<8x1024xf32>
    %eq3A_455 = arith.cmpf oeq, %select_n3A_450, %eq3A_454 : vector<8x1024xf32>
    %jit3A_456 = arith.constant 1024 : i32
    %broadcast_in_dim3A_457 = vector.broadcast %jit3A_456 : i32 to vector<8x1024xi32>
    %select_n3A_458 = arith.select %eq3A_455, %iota3A, %broadcast_in_dim3A_457 : vector<8x1024xi1>, vector<8x1024xi32>
    %reduce_min3A_459 = arith.constant dense<2147483647> : vector<8xi32>
    %reduce_min3A_460 = vector.multi_reduction <minsi>, %select_n3A_458, %reduce_min3A_459 [1] : vector<8x1024xi32> to vector<8xi32>
    %broadcast_in_dim3A_461 = vector.shape_cast %reduce_min3A_460 : vector<8xi32> to vector<8x1xi32>
    %eq3A_462 = vector.broadcast %broadcast_in_dim3A_461 : vector<8x1xi32> to vector<8x1024xi32>
    %eq3A_463 = arith.cmpi eq, %iota3A, %eq3A_462 : vector<8x1024xi32>
    %jit3A_464 = arith.constant 0xFF800000 : f32
    %broadcast_in_dim3A_465 = vector.broadcast %jit3A_464 : f32 to vector<8x1024xf32>
    %select_n3A_466 = arith.select %eq3A_463, %broadcast_in_dim3A_465, %select_n3A_450 : vector<8x1024xi1>, vector<8x1024xf32>
    %reduce_max3A_467 = arith.constant dense<0xFF800000> : vector<8xf32>
    %reduce_max3A_468 = vector.multi_reduction <maximumf>, %select_n3A_466, %reduce_max3A_467 [1] : vector<8x1024xf32> to vector<8xf32>
    %broadcast_in_dim3A_469 = vector.shape_cast %reduce_max3A_468 : vector<8xf32> to vector<8x1xf32>
    %eq3A_470 = vector.broadcast %broadcast_in_dim3A_469 : vector<8x1xf32> to vector<8x1024xf32>
    %eq3A_471 = arith.cmpf oeq, %select_n3A_466, %eq3A_470 : vector<8x1024xf32>
    %jit3A_472 = arith.constant 1024 : i32
    %broadcast_in_dim3A_473 = vector.broadcast %jit3A_472 : i32 to vector<8x1024xi32>
    %select_n3A_474 = arith.select %eq3A_471, %iota3A, %broadcast_in_dim3A_473 : vector<8x1024xi1>, vector<8x1024xi32>
    %reduce_min3A_475 = arith.constant dense<2147483647> : vector<8xi32>
    %reduce_min3A_476 = vector.multi_reduction <minsi>, %select_n3A_474, %reduce_min3A_475 [1] : vector<8x1024xi32> to vector<8xi32>
    %broadcast_in_dim3A_477 = vector.shape_cast %reduce_min3A_476 : vector<8xi32> to vector<8x1xi32>
    %eq3A_478 = vector.broadcast %broadcast_in_dim3A_477 : vector<8x1xi32> to vector<8x1024xi32>
    %eq3A_479 = arith.cmpi eq, %iota3A, %eq3A_478 : vector<8x1024xi32>
    %jit3A_480 = arith.constant 0xFF800000 : f32
    %broadcast_in_dim3A_481 = vector.broadcast %jit3A_480 : f32 to vector<8x1024xf32>
    %select_n3A_482 = arith.select %eq3A_479, %broadcast_in_dim3A_481, %select_n3A_466 : vector<8x1024xi1>, vector<8x1024xf32>
    %reduce_max3A_483 = arith.constant dense<0xFF800000> : vector<8xf32>
    %reduce_max3A_484 = vector.multi_reduction <maximumf>, %select_n3A_482, %reduce_max3A_483 [1] : vector<8x1024xf32> to vector<8xf32>
    %broadcast_in_dim3A_485 = vector.shape_cast %reduce_max3A_484 : vector<8xf32> to vector<8x1xf32>
    %eq3A_486 = vector.broadcast %broadcast_in_dim3A_485 : vector<8x1xf32> to vector<8x1024xf32>
    %eq3A_487 = arith.cmpf oeq, %select_n3A_482, %eq3A_486 : vector<8x1024xf32>
    %jit3A_488 = arith.constant 1024 : i32
    %broadcast_in_dim3A_489 = vector.broadcast %jit3A_488 : i32 to vector<8x1024xi32>
    %select_n3A_490 = arith.select %eq3A_487, %iota3A, %broadcast_in_dim3A_489 : vector<8x1024xi1>, vector<8x1024xi32>
    %reduce_min3A_491 = arith.constant dense<2147483647> : vector<8xi32>
    %reduce_min3A_492 = vector.multi_reduction <minsi>, %select_n3A_490, %reduce_min3A_491 [1] : vector<8x1024xi32> to vector<8xi32>
    %broadcast_in_dim3A_493 = vector.shape_cast %reduce_min3A_492 : vector<8xi32> to vector<8x1xi32>
    %eq3A_494 = vector.broadcast %broadcast_in_dim3A_493 : vector<8x1xi32> to vector<8x1024xi32>
    %eq3A_495 = arith.cmpi eq, %iota3A, %eq3A_494 : vector<8x1024xi32>
    %jit3A_496 = arith.constant 0xFF800000 : f32
    %broadcast_in_dim3A_497 = vector.broadcast %jit3A_496 : f32 to vector<8x1024xf32>
    %select_n3A_498 = arith.select %eq3A_495, %broadcast_in_dim3A_497, %select_n3A_482 : vector<8x1024xi1>, vector<8x1024xf32>
    %reduce_max3A_499 = arith.constant dense<0xFF800000> : vector<8xf32>
    %reduce_max3A_500 = vector.multi_reduction <maximumf>, %select_n3A_498, %reduce_max3A_499 [1] : vector<8x1024xf32> to vector<8xf32>
    %broadcast_in_dim3A_501 = vector.shape_cast %reduce_max3A_500 : vector<8xf32> to vector<8x1xf32>
    %eq3A_502 = vector.broadcast %broadcast_in_dim3A_501 : vector<8x1xf32> to vector<8x1024xf32>
    %eq3A_503 = arith.cmpf oeq, %select_n3A_498, %eq3A_502 : vector<8x1024xf32>
    %jit3A_504 = arith.constant 1024 : i32
    %broadcast_in_dim3A_505 = vector.broadcast %jit3A_504 : i32 to vector<8x1024xi32>
    %select_n3A_506 = arith.select %eq3A_503, %iota3A, %broadcast_in_dim3A_505 : vector<8x1024xi1>, vector<8x1024xi32>
    %reduce_min3A_507 = arith.constant dense<2147483647> : vector<8xi32>
    %reduce_min3A_508 = vector.multi_reduction <minsi>, %select_n3A_506, %reduce_min3A_507 [1] : vector<8x1024xi32> to vector<8xi32>
    %broadcast_in_dim3A_509 = vector.shape_cast %reduce_min3A_508 : vector<8xi32> to vector<8x1xi32>
    %eq3A_510 = vector.broadcast %broadcast_in_dim3A_509 : vector<8x1xi32> to vector<8x1024xi32>
    %eq3A_511 = arith.cmpi eq, %iota3A, %eq3A_510 : vector<8x1024xi32>
    %jit3A_512 = arith.constant 0xFF800000 : f32
    %broadcast_in_dim3A_513 = vector.broadcast %jit3A_512 : f32 to vector<8x1024xf32>
    %select_n3A_514 = arith.select %eq3A_511, %broadcast_in_dim3A_513, %select_n3A_498 : vector<8x1024xi1>, vector<8x1024xf32>
    %reduce_max3A_515 = arith.constant dense<0xFF800000> : vector<8xf32>
    %reduce_max3A_516 = vector.multi_reduction <maximumf>, %select_n3A_514, %reduce_max3A_515 [1] : vector<8x1024xf32> to vector<8xf32>
    %broadcast_in_dim3A_517 = vector.shape_cast %reduce_max3A_516 : vector<8xf32> to vector<8x1xf32>
    %eq3A_518 = vector.broadcast %broadcast_in_dim3A_517 : vector<8x1xf32> to vector<8x1024xf32>
    %eq3A_519 = arith.cmpf oeq, %select_n3A_514, %eq3A_518 : vector<8x1024xf32>
    %jit3A_520 = arith.constant 1024 : i32
    %broadcast_in_dim3A_521 = vector.broadcast %jit3A_520 : i32 to vector<8x1024xi32>
    %select_n3A_522 = arith.select %eq3A_519, %iota3A, %broadcast_in_dim3A_521 : vector<8x1024xi1>, vector<8x1024xi32>
    %reduce_min3A_523 = arith.constant dense<2147483647> : vector<8xi32>
    %reduce_min3A_524 = vector.multi_reduction <minsi>, %select_n3A_522, %reduce_min3A_523 [1] : vector<8x1024xi32> to vector<8xi32>
    %broadcast_in_dim3A_525 = vector.shape_cast %reduce_min3A_524 : vector<8xi32> to vector<8x1xi32>
    %eq3A_526 = vector.broadcast %broadcast_in_dim3A_525 : vector<8x1xi32> to vector<8x1024xi32>
    %eq3A_527 = arith.cmpi eq, %iota3A, %eq3A_526 : vector<8x1024xi32>
    %jit3A_528 = arith.constant 0xFF800000 : f32
    %broadcast_in_dim3A_529 = vector.broadcast %jit3A_528 : f32 to vector<8x1024xf32>
    %select_n3A_530 = arith.select %eq3A_527, %broadcast_in_dim3A_529, %select_n3A_514 : vector<8x1024xi1>, vector<8x1024xf32>
    %reduce_max3A_531 = arith.constant dense<0xFF800000> : vector<8xf32>
    %reduce_max3A_532 = vector.multi_reduction <maximumf>, %select_n3A_530, %reduce_max3A_531 [1] : vector<8x1024xf32> to vector<8xf32>
    %broadcast_in_dim3A_533 = vector.shape_cast %reduce_max3A_532 : vector<8xf32> to vector<8x1xf32>
    %eq3A_534 = vector.broadcast %broadcast_in_dim3A_533 : vector<8x1xf32> to vector<8x1024xf32>
    %eq3A_535 = arith.cmpf oeq, %select_n3A_530, %eq3A_534 : vector<8x1024xf32>
    %jit3A_536 = arith.constant 1024 : i32
    %broadcast_in_dim3A_537 = vector.broadcast %jit3A_536 : i32 to vector<8x1024xi32>
    %select_n3A_538 = arith.select %eq3A_535, %iota3A, %broadcast_in_dim3A_537 : vector<8x1024xi1>, vector<8x1024xi32>
    %reduce_min3A_539 = arith.constant dense<2147483647> : vector<8xi32>
    %reduce_min3A_540 = vector.multi_reduction <minsi>, %select_n3A_538, %reduce_min3A_539 [1] : vector<8x1024xi32> to vector<8xi32>
    %broadcast_in_dim3A_541 = vector.shape_cast %reduce_min3A_540 : vector<8xi32> to vector<8x1xi32>
    %eq3A_542 = vector.broadcast %broadcast_in_dim3A_541 : vector<8x1xi32> to vector<8x1024xi32>
    %eq3A_543 = arith.cmpi eq, %iota3A, %eq3A_542 : vector<8x1024xi32>
    %jit3A_544 = arith.constant 0xFF800000 : f32
    %broadcast_in_dim3A_545 = vector.broadcast %jit3A_544 : f32 to vector<8x1024xf32>
    %select_n3A_546 = arith.select %eq3A_543, %broadcast_in_dim3A_545, %select_n3A_530 : vector<8x1024xi1>, vector<8x1024xf32>
    %reduce_max3A_547 = arith.constant dense<0xFF800000> : vector<8xf32>
    %reduce_max3A_548 = vector.multi_reduction <maximumf>, %select_n3A_546, %reduce_max3A_547 [1] : vector<8x1024xf32> to vector<8xf32>
    %broadcast_in_dim3A_549 = vector.shape_cast %reduce_max3A_548 : vector<8xf32> to vector<8x1xf32>
    %eq3A_550 = vector.broadcast %broadcast_in_dim3A_549 : vector<8x1xf32> to vector<8x1024xf32>
    %eq3A_551 = arith.cmpf oeq, %select_n3A_546, %eq3A_550 : vector<8x1024xf32>
    %jit3A_552 = arith.constant 1024 : i32
    %broadcast_in_dim3A_553 = vector.broadcast %jit3A_552 : i32 to vector<8x1024xi32>
    %select_n3A_554 = arith.select %eq3A_551, %iota3A, %broadcast_in_dim3A_553 : vector<8x1024xi1>, vector<8x1024xi32>
    %reduce_min3A_555 = arith.constant dense<2147483647> : vector<8xi32>
    %reduce_min3A_556 = vector.multi_reduction <minsi>, %select_n3A_554, %reduce_min3A_555 [1] : vector<8x1024xi32> to vector<8xi32>
    %broadcast_in_dim3A_557 = vector.shape_cast %reduce_min3A_556 : vector<8xi32> to vector<8x1xi32>
    %concatenate3A_558 = tpu.concatenate %broadcast_in_dim3A_61, %broadcast_in_dim3A_77, %broadcast_in_dim3A_93, %broadcast_in_dim3A_109, %broadcast_in_dim3A_125, %broadcast_in_dim3A_141, %broadcast_in_dim3A_157, %broadcast_in_dim3A_173, %broadcast_in_dim3A_189, %broadcast_in_dim3A_205, %broadcast_in_dim3A_221, %broadcast_in_dim3A_237, %broadcast_in_dim3A_253, %broadcast_in_dim3A_269, %broadcast_in_dim3A_285, %broadcast_in_dim3A_301, %broadcast_in_dim3A_317, %broadcast_in_dim3A_333, %broadcast_in_dim3A_349, %broadcast_in_dim3A_365, %broadcast_in_dim3A_381, %broadcast_in_dim3A_397, %broadcast_in_dim3A_413, %broadcast_in_dim3A_429, %broadcast_in_dim3A_445, %broadcast_in_dim3A_461, %broadcast_in_dim3A_477, %broadcast_in_dim3A_493, %broadcast_in_dim3A_509, %broadcast_in_dim3A_525, %broadcast_in_dim3A_541, %broadcast_in_dim3A_557 in 1 : vector<8x1xi32>, vector<8x1xi32>, vector<8x1xi32>, vector<8x1xi32>, vector<8x1xi32>, vector<8x1xi32>, vector<8x1xi32>, vector<8x1xi32>, vector<8x1xi32>, vector<8x1xi32>, vector<8x1xi32>, vector<8x1xi32>, vector<8x1xi32>, vector<8x1xi32>, vector<8x1xi32>, vector<8x1xi32>, vector<8x1xi32>, vector<8x1xi32>, vector<8x1xi32>, vector<8x1xi32>, vector<8x1xi32>, vector<8x1xi32>, vector<8x1xi32>, vector<8x1xi32>, vector<8x1xi32>, vector<8x1xi32>, vector<8x1xi32>, vector<8x1xi32>, vector<8x1xi32>, vector<8x1xi32>, vector<8x1xi32>, vector<8x1xi32> -> vector<8x32xi32>
    %iota3A_559 = tpu.iota {dimensions = array<i32: 0>} : vector<8x32xi32>
    %mul3A = arith.constant 8 : i32
    %mul3A_560 = arith.muli %arg0, %mul3A : i32
    %add3A = vector.broadcast %mul3A_560 : i32 to vector<8x32xi32>
    %add3A_561 = arith.addi %iota3A_559, %add3A : vector<8x32xi32>
    %mul3A_562 = arith.constant 1024 : i32
    %mul3A_563 = vector.broadcast %mul3A_562 : i32 to vector<8x32xi32>
    %mul3A_564 = arith.muli %add3A_561, %mul3A_563 : vector<8x32xi32>
    %add3A_565 = arith.addi %mul3A_564, %concatenate3A_558 : vector<8x32xi32>
    %swap3A = arith.constant 0 : index
    %swap3A_566 = arith.constant 0 : index
    %swap3A_567 = vector.load %arg3[%swap3A, %swap3A_566] : memref<8x32xi32, #tpu.memory_space<vmem>>, vector<8x32xi32>
    tpu.vector_store %arg3[%swap3A, %swap3A_566], %add3A_565 {strides = array<i32>} : memref<8x32xi32, #tpu.memory_space<vmem>>, vector<8x32xi32>,
    return
  }
  func.func @transform_0(%arg0: i32) -> (i32, i32, i32) {
    %c0_i32 = arith.constant 0 : i32
    %c0_i32_0 = arith.constant 0 : i32
    %c0_i32_1 = arith.constant 0 : i32
    return %arg0, %c0_i32, %c0_i32_0 : i32, i32, i32
  }
  func.func @transform_1(%arg0: i32) -> (i32, i32) {
    %c0_i32 = arith.constant 0 : i32
    %c0_i32_0 = arith.constant 0 : i32
    %c0_i32_1 = arith.constant 0 : i32
    return %c0_i32, %c0_i32_0 : i32, i32
  }
  func.func @transform_2(%arg0: i32) -> (i32, i32) {
    %c0_i32 = arith.constant 0 : i32
    %c0_i32_0 = arith.constant 0 : i32
    return %arg0, %c0_i32 : i32, i32
  }
}

module attributes {stable_mosaic.version = 14 : i64} {
  func.func @_mlp_body(%arg0: memref<1024x512xf32, #tpu.memory_space<vmem>>, %arg1: memref<1024x3584xf32, #tpu.memory_space<vmem>>, %arg2: memref<512x8xf32, #tpu.memory_space<vmem>>, %arg3: memref<3584x8xf32, #tpu.memory_space<vmem>>, %arg4: memref<1x8xf32, #tpu.memory_space<vmem>>, %arg5: memref<8x1xf32, #tpu.memory_space<vmem>>, %arg6: memref<1x1xf32, #tpu.memory_space<vmem>>, %arg7: memref<1024x1xf32, #tpu.memory_space<vmem>>, %arg8: memref<1024x1xf32, #tpu.memory_space<vmem>>, %arg9: memref<1x1xf32, #tpu.memory_space<vmem>>) attributes {dimension_semantics = [], scalar_prefetch = 0 : i64, scratch_operands = 0 : i64, tpu.core_type = #tpu.core_type<tc>} {
    %get3A = arith.constant 0 : index
    %get3A_0 = arith.constant 0 : index
    %get3A_1 = vector.load %arg0[%get3A, %get3A_0] : memref<1024x512xf32, #tpu.memory_space<vmem>>, vector<1024x512xf32>
    %get3A_2 = arith.constant 0 : index
    %get3A_3 = arith.constant 0 : index
    %get3A_4 = vector.load %arg2[%get3A_2, %get3A_3] : memref<512x8xf32, #tpu.memory_space<vmem>>, vector<512x8xf32>
    %dot_general3A = arith.constant dense<0.000000e+00> : vector<1024x8xf32>
    %dot_general3A_5 = tpu.matmul %get3A_1, %get3A_4, %dot_general3A {dimension_numbers = #tpu.dot_dimension_numbers<[1], [0], [0], [1], [0, 0, 1, 1], [], []>, transpose_lhs_hint = false} : vector<1024x512xf32>, vector<512x8xf32>, vector<1024x8xf32> -> vector<1024x8xf32>
    %get3A_6 = arith.constant 0 : index
    %get3A_7 = arith.constant 0 : index
    %get3A_8 = vector.load %arg1[%get3A_6, %get3A_7] : memref<1024x3584xf32, #tpu.memory_space<vmem>>, vector<1024x3584xf32>
    %get3A_9 = arith.constant 0 : index
    %get3A_10 = arith.constant 0 : index
    %get3A_11 = vector.load %arg3[%get3A_9, %get3A_10] : memref<3584x8xf32, #tpu.memory_space<vmem>>, vector<3584x8xf32>
    %dot_general3A_12 = arith.constant dense<0.000000e+00> : vector<1024x8xf32>
    %dot_general3A_13 = tpu.matmul %get3A_8, %get3A_11, %dot_general3A_12 {dimension_numbers = #tpu.dot_dimension_numbers<[1], [0], [0], [1], [0, 0, 1, 1], [], []>, transpose_lhs_hint = false} : vector<1024x3584xf32>, vector<3584x8xf32>, vector<1024x8xf32> -> vector<1024x8xf32>
    %add3A = arith.addf %dot_general3A_5, %dot_general3A_13 : vector<1024x8xf32>
    %get3A_14 = arith.constant 0 : index
    %get3A_15 = arith.constant 0 : index
    %get3A_16 = vector.load %arg4[%get3A_14, %get3A_15] : memref<1x8xf32, #tpu.memory_space<vmem>>, vector<1x8xf32>
    %add3A_17 = vector.broadcast %get3A_16 : vector<1x8xf32> to vector<1024x8xf32>
    %add3A_18 = arith.addf %add3A, %add3A_17 : vector<1024x8xf32>
    %max3A = arith.constant 0.000000e+00 : f32
    %max3A_19 = vector.broadcast %max3A : f32 to vector<1024x8xf32>
    %max3A_20 = arith.maximumf %add3A_18, %max3A_19 : vector<1024x8xf32>
    %get3A_21 = arith.constant 0 : index
    %get3A_22 = arith.constant 0 : index
    %get3A_23 = vector.load %arg5[%get3A_21, %get3A_22] : memref<8x1xf32, #tpu.memory_space<vmem>>, vector<8x1xf32>
    %dot_general3A_24 = arith.constant dense<0.000000e+00> : vector<1024x1xf32>
    %dot_general3A_25 = tpu.matmul %max3A_20, %get3A_23, %dot_general3A_24 {dimension_numbers = #tpu.dot_dimension_numbers<[1], [0], [0], [1], [0, 0, 1, 1], [], []>, transpose_lhs_hint = false} : vector<1024x8xf32>, vector<8x1xf32>, vector<1024x1xf32> -> vector<1024x1xf32>
    %get3A_26 = arith.constant 0 : index
    %get3A_27 = arith.constant 0 : index
    %get3A_28 = vector.load %arg6[%get3A_26, %get3A_27] : memref<1x1xf32, #tpu.memory_space<vmem>>, vector<1x1xf32>
    %add3A_29 = vector.broadcast %get3A_28 : vector<1x1xf32> to vector<1024x1xf32>
    %add3A_30 = arith.addf %dot_general3A_25, %add3A_29 : vector<1024x1xf32>
    %swap3A = arith.constant 0 : index
    %swap3A_31 = arith.constant 0 : index
    %swap3A_32 = vector.load %arg8[%swap3A, %swap3A_31] : memref<1024x1xf32, #tpu.memory_space<vmem>>, vector<1024x1xf32>
    tpu.vector_store %arg8[%swap3A, %swap3A_31], %add3A_30 {strides = array<i32>} : memref<1024x1xf32, #tpu.memory_space<vmem>>, vector<1024x1xf32>,
    %get3A_33 = arith.constant 0 : index
    %get3A_34 = arith.constant 0 : index
    %get3A_35 = vector.load %arg7[%get3A_33, %get3A_34] : memref<1024x1xf32, #tpu.memory_space<vmem>>, vector<1024x1xf32>
    %reduce_sum3A = vector.shape_cast %get3A_35 : vector<1024x1xf32> to vector<1x1024x1xf32>
    %reduce_sum3A_36 = arith.constant dense<0.000000e+00> : vector<1xf32>
    %reduce_sum3A_37 = vector.multi_reduction <add>, %reduce_sum3A, %reduce_sum3A_36 [1, 2] : vector<1x1024x1xf32> to vector<1xf32>
    %reduce_sum3A_38 = vector.shape_cast %reduce_sum3A_37 : vector<1xf32> to vector<1x1x1xf32>
    %reduce_sum3A_39 = vector.extract %reduce_sum3A_38[0, 0, 0] : f32 from vector<1x1x1xf32>
    %sub3A = arith.constant 1.024000e+03 : f32
    %sub3A_40 = arith.subf %sub3A, %reduce_sum3A_39 : f32
    %div3A = arith.divf %sub3A_40, %reduce_sum3A_39 : f32
    %abs3A = math.absf %add3A_30 : vector<1024x1xf32>
    %neg3A = arith.constant 0.000000e+00 : f32
    %neg3A_41 = vector.broadcast %neg3A : f32 to vector<1024x1xf32>
    %neg3A_42 = arith.subf %neg3A_41, %abs3A : vector<1024x1xf32>
    %exp3A = math.exp %neg3A_42 : vector<1024x1xf32>
    %add3A_43 = arith.constant 1.000000e+00 : f32
    %add3A_44 = vector.broadcast %add3A_43 : f32 to vector<1024x1xf32>
    %add3A_45 = arith.addf %add3A_44, %exp3A : vector<1024x1xf32>
    %log3A = math.log %add3A_45 : vector<1024x1xf32>
    %min3A = arith.constant 0.000000e+00 : f32
    %min3A_46 = vector.broadcast %min3A : f32 to vector<1024x1xf32>
    %min3A_47 = arith.minimumf %add3A_30, %min3A_46 : vector<1024x1xf32>
    %sub3A_48 = arith.subf %min3A_47, %log3A : vector<1024x1xf32>
    %neg3A_49 = arith.constant 0.000000e+00 : f32
    %neg3A_50 = vector.broadcast %neg3A_49 : f32 to vector<1024x1xf32>
    %neg3A_51 = arith.subf %neg3A_50, %add3A_30 : vector<1024x1xf32>
    %min3A_52 = arith.constant 0.000000e+00 : f32
    %min3A_53 = vector.broadcast %min3A_52 : f32 to vector<1024x1xf32>
    %min3A_54 = arith.minimumf %neg3A_51, %min3A_53 : vector<1024x1xf32>
    %sub3A_55 = arith.subf %min3A_54, %log3A : vector<1024x1xf32>
    %mul3A = vector.broadcast %div3A : f32 to vector<1024x1xf32>
    %mul3A_56 = arith.mulf %mul3A, %get3A_35 : vector<1024x1xf32>
    %mul3A_57 = arith.mulf %mul3A_56, %sub3A_48 : vector<1024x1xf32>
    %sub3A_58 = arith.constant 1.000000e+00 : f32
    %sub3A_59 = vector.broadcast %sub3A_58 : f32 to vector<1024x1xf32>
    %sub3A_60 = arith.subf %sub3A_59, %get3A_35 : vector<1024x1xf32>
    %mul3A_61 = arith.mulf %sub3A_60, %sub3A_55 : vector<1024x1xf32>
    %add3A_62 = arith.addf %mul3A_57, %mul3A_61 : vector<1024x1xf32>
    %neg3A_63 = arith.constant 0.000000e+00 : f32
    %neg3A_64 = vector.broadcast %neg3A_63 : f32 to vector<1024x1xf32>
    %neg3A_65 = arith.subf %neg3A_64, %add3A_62 : vector<1024x1xf32>
    %reduce_sum3A_66 = arith.constant dense<0.000000e+00> : vector<1xf32>
    %reduce_sum3A_67 = vector.multi_reduction <add>, %neg3A_65, %reduce_sum3A_66 [0] : vector<1024x1xf32> to vector<1xf32>
    %broadcast_in_dim3A = vector.shape_cast %reduce_sum3A_67 : vector<1xf32> to vector<1x1xf32>
    %mul3A_68 = arith.constant 9.765625E-4 : f32
    %mul3A_69 = vector.broadcast %mul3A_68 : f32 to vector<1x1xf32>
    %mul3A_70 = arith.mulf %broadcast_in_dim3A, %mul3A_69 : vector<1x1xf32>
    %swap3A_71 = arith.constant 0 : index
    %swap3A_72 = arith.constant 0 : index
    %swap3A_73 = vector.load %arg9[%swap3A_71, %swap3A_72] : memref<1x1xf32, #tpu.memory_space<vmem>>, vector<1x1xf32>
    tpu.vector_store %arg9[%swap3A_71, %swap3A_72], %mul3A_70 {strides = array<i32>} : memref<1x1xf32, #tpu.memory_space<vmem>>, vector<1x1xf32>,
    return
  }
}

</mosaic_0001>

<sc_bundles>
// kernel: kernel.5.cloned.1.call-start
scs
__scs_entry_jumppad:
0x0: {  	(pc) =	sbr.rel $0x88, $3  }
0x1: {  	(tag) =	ssettag $0x0;
	lr =	simm.s32 $0x1  }
0x2: {  	[smem:$0x3F99] =	sst lr;
	_ =	strace $0xD0000000  }
0x3: {  	_ = 	snop  }
0x4: {  	_ = 	snop  }
0x5: {  	_ = 	snop  }
0x6: {  	_ = 	snop  }
0x7: {  	_ = 	snop  }
__scs_overlays_trampoline_lowered:
0x8: {  	[smem:$0x3FA8] =	sst s0  }
0x9: {  	[smem:$0x3FA9] =	sst s1  }
0xa: {  	[smem:$0x3FAA] =	sst s2  }
0xb: {  	[smem:$0x3FAB] =	sst s3  }
0xc: {  	[smem:$0x3FAC] =	sst s4  }
0xd: {  	[smem:$0x3FAD] =	sst s5  }
0xe: {  	[smem:$0x3FAE] =	sst s6  }
0xf: {  	[smem:$0x3FAF] =	sst s7  }
0x10: {  	[smem:$0x3FB0] =	sst s8  }
0x11: {  	[smem:$0x3FB1] =	sst s9;
	s0 =	simm.s32 @!p0 $0x0  }
0x12: {  	s1 =	sld [smem:$0x3F97];
	s0 =	simm.s32 @p0 $0x1  }
0x13: {  	[smem:$0x3FB2] =	sst s0;
	s0 =	simm.s32 @!p1 $0x0  }
0x14: {  	s2 =	sld [smem:$0x3F96];
	s0 =	simm.s32 @p1 $0x1  }
0x15: {  	[smem:$0x3FB3] =	sst s0;
	s0 =	simm.s32 @!p2 $0x0  }
0x16: {  	s3 =	sld [smem:$0x3FDB];
	s0 =	simm.s32 @p2 $0x1  }
0x17: {  	s4 =	simm.s32 $0x1BF5;
	[smem:$0x3FB5] =	sst s0  }
0x18: {  	s0 =	sld [smem:$0x3F98];
	_ =	swait.ge [sflag:s4], $0x0  }
0x19: {  	s7 =	sld [smem:$0x3F99]  }
0x1a: {  	s8 =	sadd.s32 $0xFFFFE003, lr  }
0x1b: {  	s9 =	sadd.s32 $0xFFFFFEF7, lr;
	s5 =	simm.s32 $0xFFFFFFFF;
	p2 =	slt.u32 s8, $0xFFFFF086  }
0x1c: {  	p1 =	slt.u32 s9, $0xF7A;
	s5 =	simm.s32 @!p2 $0x0  }
0x1d: {  	s5 =	simm.s32 @p1 $0x1;
	p0 =	seq.s32 s7, s2  }
0x1e: {  	s7 =	smul.u32 @!p0 $0xF7A, s2;
	p2 =	seq.s32 @!p0 s5, $0x0  }
0x1f: {  	s9 =	smul.u32 $0xF7A, s1;
	s8 =	simm.s32 @!p0 $0x1BF5;
	p2 =	por !p2, p0  }
0x20: {  	[sflag:s8] =	ssyncset.s32 @!p0 $0xFFFFF086;
	s6 =	sadd.s32 @!p0 s3, s7;
	s7 =	simm.s32 @!p0 $0x108  }
0x21: {  	s3 =	sadd.s32 s3, s9;
	s6 =	sadd.s32 @!p0 $0x88, s6;
	s7 =	simm.s32 @p2 $0x1082  }
0x22: {  	[simem:s7], [sflag:s8] =	dma.local @!p0 [hbm:s6], $0xF7A  }
0x23: {  	s9 =	sor.u32 $0xD0000000, s2;
	s6 =	simm.s32 $0x108;
	_ =	swait.ge @!p0 [sflag:s8], $0x0  }
0x24: {  	s3 =	sadd.s32 $0x88, s3;
	s6 =	simm.s32 @!p1 $0x1082;
	[sflag:s4] =	ssyncset.s32 $0xFFFFF086  }
0x25: {  	[simem:s6], [sflag:s4] =	dma.local [hbm:s3], $0xF7A  }
0x26: {  	[smem:$0x3F99] =	sst s1;
	(tag) =	ssettag s2;
	_ =	strace s9  }
0x27: {  	s1 =	sld [smem:$0x3FA9]  }
0x28: {  	s2 =	sld [smem:$0x3FAA]  }
0x29: {  	s4 =	sld [smem:$0x3FAC]  }
0x2a: {  	p0 =	seq.s32 s5, $0x0;
	s5 =	sld [smem:$0x3FAD]  }
0x2b: {  	s6 =	sld [smem:$0x3FAE]  }
0x2c: {  	s7 =	sld [smem:$0x3FAF]  }
0x2d: {  	s3 =	simm.s32 $0x108;
	s8 =	sld [smem:$0x3FB0]  }
0x2e: {  	s3 =	simm.s32 @!p0 $0x1082;
	s9 =	sld [smem:$0x3FB1]  }
0x2f: {  	lr =	sadd.s32 s0, s3;
	s0 =	sld [smem:$0x3FA8]  }
0x30: {  	s3 =	sld [smem:$0x3FAB]  }
0x31: {  	[smem:$0x3FB4] =	sst s10  }
0x32: {  	s10 =	sld [smem:$0x3FB2];
	_ =	sdelay $0x3  }
0x33: {  	p0 =	seq.s32 s10, $0x1;
	s10 =	sld [smem:$0x3FB4];
	_ =	sdelay $0x3  }
0x34: {  	[smem:$0x3FB4] =	sst s10  }
0x35: {  	s10 =	sld [smem:$0x3FB3];
	_ =	sdelay $0x3  }
0x36: {  	p1 =	seq.s32 s10, $0x1;
	s10 =	sld [smem:$0x3FB4];
	_ =	sdelay $0x3  }
0x37: {  	[smem:$0x3FB4] =	sst s10  }
0x38: {  	s10 =	sld [smem:$0x3FB5]  }
0x39: {  	_ = 	snop;
	(pc) =	sbr.ind lr, $3  }
0x3a: {  	_ = 	snop  }
0x3b: {  	_ = 	snop  }
0x3c: {  	p2 =	seq.s32 s10, $0x1;
	s10 =	sld [smem:$0x3FB4]  }
0x3d: {  	_ =	shalt  }
0x3e: {  	_ =	shalt  }
0x3f: {  	_ =	shalt  }
0x40: {  	_ =	shalt  }
0x41: {  	_ =	shalt  }
0x42: {  	_ =	shalt  }
0x43: {  	_ =	shalt  }
0x44: {  	_ =	shalt  }
0x45: {  	_ =	shalt  }
0x46: {  	_ =	shalt  }
0x47: {  	_ =	shalt  }
0x48: {  	_ =	shalt  }
0x49: {  	_ =	shalt  }
0x4a: {  	_ =	shalt  }
0x4b: {  	_ =	shalt  }
0x4c: {  	_ =	shalt  }
0x4d: {  	_ =	shalt  }
0x4e: {  	_ =	shalt  }
0x4f: {  	_ =	shalt  }
0x50: {  	_ =	shalt  }
0x51: {  	_ =	shalt  }
0x52: {  	_ =	shalt  }
0x53: {  	_ =	shalt  }
0x54: {  	_ =	shalt  }
0x55: {  	_ =	shalt  }
0x56: {  	_ =	shalt  }
0x57: {  	_ =	shalt  }
0x58: {  	_ =	shalt  }
0x59: {  	_ =	shalt  }
0x5a: {  	_ =	shalt  }
0x5b: {  	_ =	shalt  }
0x5c: {  	_ =	shalt  }
0x5d: {  	_ =	shalt  }
0x5e: {  	_ =	shalt  }
0x5f: {  	_ =	shalt  }
0x60: {  	_ =	shalt  }
0x61: {  	_ =	shalt  }
0x62: {  	_ =	shalt  }
0x63: {  	_ =	shalt  }
0x64: {  	_ =	shalt  }
0x65: {  	_ =	shalt  }
0x66: {  	_ =	shalt  }
0x67: {  	_ =	shalt  }
0x68: {  	_ =	shalt  }
0x69: {  	_ =	shalt  }
0x6a: {  	_ =	shalt  }
0x6b: {  	_ =	shalt  }
0x6c: {  	_ =	shalt  }
0x6d: {  	_ =	shalt  }
0x6e: {  	_ =	shalt  }
0x6f: {  	_ =	shalt  }
0x70: {  	_ =	shalt  }
0x71: {  	_ =	shalt  }
0x72: {  	_ =	shalt  }
0x73: {  	_ =	shalt  }
0x74: {  	_ =	shalt  }
0x75: {  	_ =	shalt  }
0x76: {  	_ =	shalt  }
0x77: {  	_ =	shalt  }
0x78: {  	_ =	shalt  }
0x79: {  	_ =	shalt  }
0x7a: {  	_ =	shalt  }
0x7b: {  	_ =	shalt  }
0x7c: {  	_ =	shalt  }
0x7d: {  	_ =	shalt  }
0x7e: {  	_ =	shalt  }
0x7f: {  	_ =	shalt  }
0x80: {  	_ =	shalt  }
0x81: {  	_ =	shalt  }
0x82: {  	_ =	shalt  }
0x83: {  	_ =	shalt  }
0x84: {  	_ =	shalt  }
0x85: {  	_ =	shalt  }
0x86: {  	_ =	shalt  }
0x87: {  	_ =	shalt  }
.Lfunc_end0:
.L_simem_size_0:
called_computation_lowered:
.L_overlay_start_0:
0x88: {  	s2 =	sld [smem:$0x3FD9]  }
0x89: {  	s3 =	sld [smem:$0x3FFE];
	_ =	sdelay $0x1  }
0x8a: {  	s1 =	srdreg.scid  }
0x8b: {  	s0 =	sand.u32 $0x1, s1  }
0x8c: {  	s16 =	sshll.u32 s0, $0xA;
	s2 =	sadd.s32 s3, s2  }
0x8d: {  	s2 =	sadd.s32 s2, s16  }
0x8e: {  	[smem:$0x3FC0] =	sst s2  }
0x8f: {  	_ = 	snop  }
0x90: {  	(tm) =	ssettm $0x1  }
0x91: {  	s17 =	sld [smem:$0x3FFB];
	_ =	sdelay $0x3  }
0x92: {  	_ =	strace s17  }
0x93: {  	s2 =	sld [smem:$0x3FFC];
	_ =	sdelay $0x3  }
0x94: {  	_ =	strace s2  }
0x95: {  	s2 =	sld [smem:$0x3FFD];
	_ =	sdelay $0x3  }
0x96: {  	_ =	strace s2  }
0x97: {  	_ =	strace $0x8FFFFFFF  }
0x98: {  	s18 =	sld [smem:$0x3FDB];
	_ =	sdelay $0x1  }
0x99: {  	s19 =	simm.s32 $_scs_section_size  }
0x9a: {  	s4 =	simm.s32 $_size__tile_overlayer_lowered;
	s5 =	simm.s32 $_tile_overlayer_lowered  }
0x9b: {  	s22 =	simm.s32 $0x1BFF;
	s21 =	sshll.u32 s5, $0x1;
	s2 =	sadd.s32 s19, s18  }
0x9c: {  	s6 =	simm.s32 $0x0;
	s20 =	sshll.u32 s4, $0x1;
	s4 =	sadd.s32 s21, s2  }
0x9d: {  	[timem:s6], [sflag:s22] =	dma.local [hbm:s4], s20  }
0x9e: {  	_ =	swait.ge [sflag:s22], s20  }
0x9f: {  	s3 =	ssub.s32 $0x0, s20;
	[sflag:s22] =	ssyncset.done $0x0  }
0xa0: {  	[sflag:s22] =	ssyncadd.s32 s3;
	_ =	sdelay $0x1  }
0xa1: {  	s23 =	simm.s32 $0x1B8B  }
0xa2: {  	_ =	swait.ge [sflag:s23], $0x1  }
0xa3: {  	[sflag:s23] =	ssyncset.done $0x0  }
0xa4: {  	s25 =	simm.s32 $0x1B8E;
	s24 =	sld [smem:$0x3FFE];
	[sflag:s23] =	ssyncadd.s32 $0xFFFFFFFF  }
0xa5: {  	s26 =	simm.s32 $execute0_lowered;
	[smem:$0x3FD2] =	sst s25  }
0xa6: {  	s4 =	sshll.u32 s26, $0x1;
	_ =	strace $0x80000046;
	[dreg:$0x1] =	wrdreg $0xFFFFFFFF  }
0xa7: {  	s28 =	simm.s32 $_size_execute0_lowered;
	s2 =	sadd.s32 s2, s4;
	[dreg:$0x0] =	wrdreg $0x0  }
0xa8: {  	s4 =	sshll.u32 s28, $0x1;
	[dreg:$0x2] =	wrdreg s2  }
0xa9: {  	[dreg:$0x3] =	wrdreg s4  }
0xaa: {  	[dreg:$0x4] =	wrdreg $0xC0  }
0xab: {  	_ =	task [dreg:s6], $0x5FFFF  }
0xac: {  	[dreg:$0x1] =	wrdreg $0xFFFFFFFF  }
0xad: {  	[dreg:$0x0] =	wrdreg $0x60  }
0xae: {  	[dreg:$0x2] =	wrdreg s24  }
0xaf: {  	[dreg:$0x3] =	wrdreg $0x9  }
0xb0: {  	_ =	task.clear_ibuf [dreg:s6], $0x4FFFF;
	_ =	strace $0x90000046  }
0xb1: {  	s29 =	simm.s32 $0x9;
	_ =	strace $0x80000048  }
0xb2: {  	_ =	swait.ge [sflag:s29], $0x1  }
0xb3: {  	[sflag:s29] =	ssyncadd.s32 $0xFFFFFFFF  }
0xb4: {  	_ =	strace $0x90000048  }
0xb5: {  	_ =	sfence  }
0xb6: {  	s30 =	sld [smem:$0x0];
	_ =	sdelay $0x2  }
0xb7: {  	s31 =	sshll.u32 s1, $0xD;
	s1 =	sshrl.u32 s1, $0x2  }
0xb8: {  	s3 =	sand.u32 $0x4000, s31;
	s1 =	sadd.s32 s1, s30  }
0xb9: {  	s0 =	sor.u32 s3, s0;
	s1 =	sshll.u32 s1, $0x11  }
0xba: {  	s0 =	sor.u32 s1, s0  }
0xbb: {  	s0 =	sadd.s32 $0x8F2B, s0  }
0xbc: {  	[sflag:s0] =	ssyncadd.remote.s32 $0x1  }
0xbd: {  	_ =	sfence.sel $0xFFFF  }
0xbe: {  	[dreg:$0x0] =	wrdreg $0xFFFFFFFF;
	(pc) =	sbr.abs _section_cstart, $3  }
0xbf: {  	[dreg:$0x1] =	wrdreg $0xFFFFFFFF  }
0xc0: {  	_ =	task.clear_ibuf [dreg:s6], $0x2FFFF;
	_ =	strace $0x9FFFFFFF  }
0xc1: {  	(tm) =	ssettm $0x7FFFFFFF  }
tec
execute0_lowered:
.L_overlay_start_1:
0x0: {  	(tag) =	ssettag $0x1  }
0x1: {  	s7 =	rddreg [dreg:$0x0]  }
0x2: {  	s0 =	srdreg.scid;
	s1 =	stileid.u32  }
0x3: {  	s2 =	simm.s32 $0x0;
	s31 =	sand.u32 $0x1, s0;
	s3 =	sshll.u32 s1, $0xB  }
0x4: {  	[smem:$0x7FF] =	sst s2;
	s26 =	sadd.s32 $0x1000, s7;
	s4 =	sshll.u32 s31, $0xA  }
0x5: {  	s30 =	sadd.s32 $0xE72000, s7;
	s0 =	sadd.s32 $0xE02000, s7;
	s28 =	sor.u32 s4, s3  }
0x6: {  	_ =	strace $0x80000047;
	s3 =	sshrl.u32 s28, $0x3;
	s4 =	sor.u32 $0x80, s28  }
0x7: {  	s5 =	sshll.u32 s28, $0x1;
	s6 =	smul.u32 $0xE, s28;
	s3 =	sadd.s32 s26, s3  }
0x8: {  	s8 =	sshrl.u32 s4, $0x3;
	s9 =	sadd.s32 s30, s5;
	[dreg:$0x2] =	wrdreg s3  }
0x9: {  	s16 =	sor.u32 $0x100, s28;
	s3 =	sadd.s32 s26, s8;
	[dreg:$0x4] =	wrdreg s9  }
0xa: {  	s11 =	sshrl.u32 s16, $0x3;
	s10 =	sadd.s32 s0, s6;
	[dreg:$0x3] =	wrdreg s3  }
0xb: {  	s13 =	sshll.u32 s4, $0x1;
	s12 =	sadd.s32 s26, s11;
	[dreg:$0x5] =	wrdreg s10  }
0xc: {  	s19 =	sor.u32 $0x180, s28;
	s14 =	sadd.s32 s30, s13;
	[dreg:$0x6] =	wrdreg s12  }
0xd: {  	s4 =	smul.u32 $0xE, s4;
	s17 =	sshrl.u32 s19, $0x3;
	[dreg:$0x7] =	wrdreg s14  }
0xe: {  	s20 =	sadd.s32 s26, s17;
	s18 =	rddreg [dreg:$0x2]  }
0xf: {  	s15 =	sadd.s32 s0, s4;
	[dreg:$0x9] =	wrdreg s20  }
0x10: {  	s3 =	simm.s32 $0x5;
	[dreg:$0x8] =	wrdreg s15  }
0x11: {  	[tilespmem:s2], [sflag:$0x5] =	stream.linear.gather [hbm4b:s18+s2], $0x80, $0x38;
	[tilespmem:$0x8100] =	vst v63  }
0x12: {  	_ =	swait.ge [sflag:s3], $0x80  }
0x13: {  	s5 =	simm.s32 $0x80;
	[sflag:s3] =	ssyncset.done $0x0  }
0x14: {  	s6 =	simm.s32 $0x100;
	s4 =	sadd.s32 $0x1001000, s7;
	[sflag:s3] =	ssyncadd.s32 $0xFFFFFF80  }
0x15: {  	[tilespmem:s6], [sflag:$0x1] =	stream.indirect.gather [hbm4b:s4+s5], $0x10, s2, s5, $0xb8;
	[tilespmem:$0x8100] =	vst v63  }
0x16: {  	s8 =	simm.s32 $0x1100;
	s7 =	sadd.s32 $0x2000, s7  }
0x17: {  	[tilespmem:s8], [sflag:$0x3] =	stream.indirect.gather [hbm4b:s7+s5], $0x70, s2, s5, $0xb8;
	[tilespmem:$0x8100] =	vst v63  }
0x18: {  	s9 =	rddreg [dreg:$0x3]  }
0x19: {  	[tilespmem:s5], [sflag:$0x5] =	stream.linear.gather [hbm4b:s9+s2], $0x80, $0x38;
	[tilespmem:$0x8100] =	vst v63  }
0x1a: {  	_ =	swait.ge [sflag:s3], $0x80  }
0x1b: {  	[sflag:s3] =	ssyncset.done $0x0  }
0x1c: {  	s9 =	simm.s32 $0x900;
	[sflag:s3] =	ssyncadd.s32 $0xFFFFFF80  }
0x1d: {  	[tilespmem:s9], [sflag:$0x2] =	stream.indirect.gather [hbm4b:s4+s5], $0x10, s5, s5, $0xb8;
	[tilespmem:$0x8100] =	vst v63  }
0x1e: {  	s11 =	simm.s32 $0x1;
	s10 =	simm.s32 $0x4900  }
0x1f: {  	[tilespmem:s10], [sflag:$0x4] =	stream.indirect.gather [hbm4b:s7+s5], $0x70, s5, s5, $0xb8;
	[tilespmem:$0x8100] =	vst v63  }
0x20: {  	_ =	swait.ge [sflag:s11], $0x800  }
0x21: {  	[sflag:s11] =	ssyncset.done $0x0  }
0x22: {  	s12 =	simm.s32 $0x3;
	[sflag:s11] =	ssyncadd.s32 $0xFFFFF800  }
0x23: {  	_ =	swait.ge [sflag:s12], $0x3800  }
0x24: {  	[sflag:s12] =	ssyncset.done $0x0  }
0x25: {  	s13 =	rddreg [dreg:$0x4];
	[sflag:s12] =	ssyncadd.s32 $0xFFFFC800  }
0x26: {  	[hbm4b:s13+s2] =	stream.linear.scatter [tilespmem:s6], [sflag:$0x5], $0x800, $0x38;
	[tilespmem:$0x8100] =	vst v63  }
0x27: {  	_ =	swait.ge [sflag:s3], $0x800  }
0x28: {  	[sflag:s3] =	ssyncset.done $0x0  }
0x29: {  	s21 =	rddreg [dreg:$0x5];
	[sflag:s3] =	ssyncadd.s32 $0xFFFFF800  }
0x2a: {  	[hbm4b:s21+s2] =	stream.linear.scatter [tilespmem:s8], [sflag:$0x5], $0x3800, $0x38;
	[tilespmem:$0x8100] =	vst v63  }
0x2b: {  	_ =	swait.ge [sflag:s3], $0x3800  }
0x2c: {  	[sflag:s3] =	ssyncset.done $0x0  }
0x2d: {  	s22 =	rddreg [dreg:$0x6];
	[sflag:s3] =	ssyncadd.s32 $0xFFFFC800  }
0x2e: {  	[tilespmem:s2], [sflag:$0x5] =	stream.linear.gather [hbm4b:s22+s2], $0x80, $0x38;
	[tilespmem:$0x8100] =	vst v63  }
0x2f: {  	_ =	swait.ge [sflag:s3], $0x80  }
0x30: {  	[sflag:s3] =	ssyncset.done $0x0  }
0x31: {  	[sflag:s3] =	ssyncadd.s32 $0xFFFFFF80  }
0x32: {  	[tilespmem:s6], [sflag:$0x1] =	stream.indirect.gather [hbm4b:s4+s5], $0x10, s2, s5, $0xb8;
	[tilespmem:$0x8100] =	vst v63  }
0x33: {  	s13 =	simm.s32 $0x2  }
0x34: {  	[tilespmem:s8], [sflag:$0x3] =	stream.indirect.gather [hbm4b:s7+s5], $0x70, s2, s5, $0xb8;
	[tilespmem:$0x8100] =	vst v63  }
0x35: {  	_ =	swait.ge [sflag:s13], $0x800  }
0x36: {  	[sflag:s13] =	ssyncset.done $0x0  }
0x37: {  	s14 =	simm.s32 $0x4;
	[sflag:s13] =	ssyncadd.s32 $0xFFFFF800  }
0x38: {  	_ =	swait.ge [sflag:s14], $0x3800  }
0x39: {  	[sflag:s14] =	ssyncset.done $0x0  }
0x3a: {  	s15 =	rddreg [dreg:$0x7];
	[sflag:s14] =	ssyncadd.s32 $0xFFFFC800  }
0x3b: {  	[hbm4b:s15+s2] =	stream.linear.scatter [tilespmem:s9], [sflag:$0x5], $0x800, $0x38;
	[tilespmem:$0x8100] =	vst v63  }
0x3c: {  	_ =	swait.ge [sflag:s3], $0x800  }
0x3d: {  	[sflag:s3] =	ssyncset.done $0x0  }
0x3e: {  	s23 =	rddreg [dreg:$0x8];
	[sflag:s3] =	ssyncadd.s32 $0xFFFFF800  }
0x3f: {  	[hbm4b:s23+s2] =	stream.linear.scatter [tilespmem:s10], [sflag:$0x5], $0x3800, $0x38;
	[tilespmem:$0x8100] =	vst v63  }
0x40: {  	_ =	swait.ge [sflag:s3], $0x3800  }
0x41: {  	[sflag:s3] =	ssyncset.done $0x0  }
0x42: {  	s24 =	rddreg [dreg:$0x9];
	[sflag:s3] =	ssyncadd.s32 $0xFFFFC800  }
0x43: {  	[tilespmem:s5], [sflag:$0x5] =	stream.linear.gather [hbm4b:s24+s2], $0x80, $0x38;
	[tilespmem:$0x8100] =	vst v63  }
0x44: {  	_ =	swait.ge [sflag:s3], $0x80  }
0x45: {  	[sflag:s3] =	ssyncset.done $0x0  }
0x46: {  	[sflag:s3] =	ssyncadd.s32 $0xFFFFFF80  }
0x47: {  	[tilespmem:s9], [sflag:$0x2] =	stream.indirect.gather [hbm4b:s4+s5], $0x10, s5, s5, $0xb8;
	[tilespmem:$0x8100] =	vst v63  }
0x48: {  	_ = 	snop  }
0x49: {  	[tilespmem:s10], [sflag:$0x4] =	stream.indirect.gather [hbm4b:s7+s5], $0x70, s5, s5, $0xb8;
	[tilespmem:$0x8100] =	vst v63  }
0x4a: {  	_ =	swait.ge [sflag:s11], $0x800  }
0x4b: {  	[sflag:s11] =	ssyncset.done $0x0  }
0x4c: {  	[sflag:s11] =	ssyncadd.s32 $0xFFFFF800  }
0x4d: {  	_ =	swait.ge [sflag:s12], $0x3800  }
0x4e: {  	s25 =	sshll.u32 s16, $0x1;
	[sflag:s12] =	ssyncset.done $0x0  }
0x4f: {  	s15 =	sadd.s32 s30, s25;
	[sflag:s12] =	ssyncadd.s32 $0xFFFFC800  }
0x50: {  	[hbm4b:s15+s2] =	stream.linear.scatter [tilespmem:s6], [sflag:$0x5], $0x800, $0x38;
	[tilespmem:$0x8100] =	vst v63  }
0x51: {  	s16 =	smul.u32 $0xE, s16;
	_ =	swait.ge [sflag:s3], $0x800  }
0x52: {  	[sflag:s3] =	ssyncset.done $0x0  }
0x53: {  	s16 =	sadd.s32 s0, s16;
	[sflag:s3] =	ssyncadd.s32 $0xFFFFF800  }
0x54: {  	[hbm4b:s16+s2] =	stream.linear.scatter [tilespmem:s8], [sflag:$0x5], $0x3800, $0x38;
	[tilespmem:$0x8100] =	vst v63  }
0x55: {  	s22 =	sor.u32 $0x200, s28;
	_ =	swait.ge [sflag:s3], $0x3800  }
0x56: {  	s17 =	sshrl.u32 s22, $0x3;
	[sflag:s3] =	ssyncset.done $0x0  }
0x57: {  	s17 =	sadd.s32 s26, s17;
	[sflag:s3] =	ssyncadd.s32 $0xFFFFC800  }
0x58: {  	[tilespmem:s2], [sflag:$0x5] =	stream.linear.gather [hbm4b:s17+s2], $0x80, $0x38;
	[tilespmem:$0x8100] =	vst v63  }
0x59: {  	_ =	swait.ge [sflag:s3], $0x80  }
0x5a: {  	[sflag:s3] =	ssyncset.done $0x0  }
0x5b: {  	[sflag:s3] =	ssyncadd.s32 $0xFFFFFF80  }
0x5c: {  	[tilespmem:s6], [sflag:$0x1] =	stream.indirect.gather [hbm4b:s4+s5], $0x10, s2, s5, $0xb8;
	[tilespmem:$0x8100] =	vst v63  }
0x5d: {  	_ = 	snop  }
0x5e: {  	[tilespmem:s8], [sflag:$0x3] =	stream.indirect.gather [hbm4b:s7+s5], $0x70, s2, s5, $0xb8;
	[tilespmem:$0x8100] =	vst v63  }
0x5f: {  	_ =	swait.ge [sflag:s13], $0x800  }
0x60: {  	[sflag:s13] =	ssyncset.done $0x0  }
0x61: {  	[sflag:s13] =	ssyncadd.s32 $0xFFFFF800  }
0x62: {  	_ =	swait.ge [sflag:s14], $0x3800  }
0x63: {  	s18 =	sshll.u32 s19, $0x1;
	[sflag:s14] =	ssyncset.done $0x0  }
0x64: {  	s18 =	sadd.s32 s30, s18;
	[sflag:s14] =	ssyncadd.s32 $0xFFFFC800  }
0x65: {  	[hbm4b:s18+s2] =	stream.linear.scatter [tilespmem:s9], [sflag:$0x5], $0x800, $0x38;
	[tilespmem:$0x8100] =	vst v63  }
0x66: {  	s19 =	smul.u32 $0xE, s19;
	_ =	swait.ge [sflag:s3], $0x800  }
0x67: {  	[sflag:s3] =	ssyncset.done $0x0  }
0x68: {  	s19 =	sadd.s32 s0, s19;
	[sflag:s3] =	ssyncadd.s32 $0xFFFFF800  }
0x69: {  	[hbm4b:s19+s2] =	stream.linear.scatter [tilespmem:s10], [sflag:$0x5], $0x3800, $0x38;
	[tilespmem:$0x8100] =	vst v63  }
0x6a: {  	s25 =	sor.u32 $0x280, s28;
	_ =	swait.ge [sflag:s3], $0x3800  }
0x6b: {  	s20 =	sshrl.u32 s25, $0x3;
	[sflag:s3] =	ssyncset.done $0x0  }
0x6c: {  	s20 =	sadd.s32 s26, s20;
	[sflag:s3] =	ssyncadd.s32 $0xFFFFC800  }
0x6d: {  	[tilespmem:s5], [sflag:$0x5] =	stream.linear.gather [hbm4b:s20+s2], $0x80, $0x38;
	[tilespmem:$0x8100] =	vst v63  }
0x6e: {  	_ =	swait.ge [sflag:s3], $0x80  }
0x6f: {  	[sflag:s3] =	ssyncset.done $0x0  }
0x70: {  	[sflag:s3] =	ssyncadd.s32 $0xFFFFFF80  }
0x71: {  	[tilespmem:s9], [sflag:$0x2] =	stream.indirect.gather [hbm4b:s4+s5], $0x10, s5, s5, $0xb8;
	[tilespmem:$0x8100] =	vst v63  }
0x72: {  	_ = 	snop  }
0x73: {  	[tilespmem:s10], [sflag:$0x4] =	stream.indirect.gather [hbm4b:s7+s5], $0x70, s5, s5, $0xb8;
	[tilespmem:$0x8100] =	vst v63  }
0x74: {  	_ =	swait.ge [sflag:s11], $0x800  }
0x75: {  	[sflag:s11] =	ssyncset.done $0x0  }
0x76: {  	[sflag:s11] =	ssyncadd.s32 $0xFFFFF800  }
0x77: {  	_ =	swait.ge [sflag:s12], $0x3800  }
0x78: {  	s21 =	sshll.u32 s22, $0x1;
	[sflag:s12] =	ssyncset.done $0x0  }
0x79: {  	s21 =	sadd.s32 s30, s21;
	[sflag:s12] =	ssyncadd.s32 $0xFFFFC800  }
0x7a: {  	[hbm4b:s21+s2] =	stream.linear.scatter [tilespmem:s6], [sflag:$0x5], $0x800, $0x38;
	[tilespmem:$0x8100] =	vst v63  }
0x7b: {  	s22 =	smul.u32 $0xE, s22;
	_ =	swait.ge [sflag:s3], $0x800  }
0x7c: {  	[sflag:s3] =	ssyncset.done $0x0  }
0x7d: {  	s22 =	sadd.s32 s0, s22;
	[sflag:s3] =	ssyncadd.s32 $0xFFFFF800  }
0x7e: {  	[hbm4b:s22+s2] =	stream.linear.scatter [tilespmem:s8], [sflag:$0x5], $0x3800, $0x38;
	[tilespmem:$0x8100] =	vst v63  }
0x7f: {  	s29 =	sor.u32 $0x300, s28;
	_ =	swait.ge [sflag:s3], $0x3800  }
0x80: {  	s23 =	sshrl.u32 s29, $0x3;
	[sflag:s3] =	ssyncset.done $0x0  }
0x81: {  	s23 =	sadd.s32 s26, s23;
	[sflag:s3] =	ssyncadd.s32 $0xFFFFC800  }
0x82: {  	[tilespmem:s2], [sflag:$0x5] =	stream.linear.gather [hbm4b:s23+s2], $0x80, $0x38;
	[tilespmem:$0x8100] =	vst v63  }
0x83: {  	_ =	swait.ge [sflag:s3], $0x80  }
0x84: {  	[sflag:s3] =	ssyncset.done $0x0  }
0x85: {  	[sflag:s3] =	ssyncadd.s32 $0xFFFFFF80  }
0x86: {  	[tilespmem:s6], [sflag:$0x1] =	stream.indirect.gather [hbm4b:s4+s5], $0x10, s2, s5, $0xb8;
	[tilespmem:$0x8100] =	vst v63  }
0x87: {  	_ = 	snop  }
0x88: {  	[tilespmem:s8], [sflag:$0x3] =	stream.indirect.gather [hbm4b:s7+s5], $0x70, s2, s5, $0xb8;
	[tilespmem:$0x8100] =	vst v63  }
0x89: {  	_ =	swait.ge [sflag:s13], $0x800  }
0x8a: {  	[sflag:s13] =	ssyncset.done $0x0  }
0x8b: {  	[sflag:s13] =	ssyncadd.s32 $0xFFFFF800  }
0x8c: {  	_ =	swait.ge [sflag:s14], $0x3800  }
0x8d: {  	s24 =	sshll.u32 s25, $0x1;
	[sflag:s14] =	ssyncset.done $0x0  }
0x8e: {  	s24 =	sadd.s32 s30, s24;
	[sflag:s14] =	ssyncadd.s32 $0xFFFFC800  }
0x8f: {  	[hbm4b:s24+s2] =	stream.linear.scatter [tilespmem:s9], [sflag:$0x5], $0x800, $0x38;
	[tilespmem:$0x8100] =	vst v63  }
0x90: {  	s25 =	smul.u32 $0xE, s25;
	_ =	swait.ge [sflag:s3], $0x800  }
0x91: {  	[sflag:s3] =	ssyncset.done $0x0  }
0x92: {  	s25 =	sadd.s32 s0, s25;
	[dreg:$0xa] =	wrdreg s0;
	[sflag:s3] =	ssyncadd.s32 $0xFFFFF800  }
0x93: {  	[hbm4b:s25+s2] =	stream.linear.scatter [tilespmem:s10], [sflag:$0x5], $0x3800, $0x38;
	[tilespmem:$0x8100] =	vst v63  }
0x94: {  	s1 =	sor.u32 $0x380, s28;
	_ =	swait.ge [sflag:s3], $0x3800  }
0x95: {  	s28 =	sshrl.u32 s1, $0x3;
	[sflag:s3] =	ssyncset.done $0x0  }
0x96: {  	s26 =	sadd.s32 s26, s28;
	[sflag:s3] =	ssyncadd.s32 $0xFFFFC800  }
0x97: {  	[tilespmem:s5], [sflag:$0x5] =	stream.linear.gather [hbm4b:s26+s2], $0x80, $0x38;
	[tilespmem:$0x8100] =	vst v63  }
0x98: {  	_ =	swait.ge [sflag:s3], $0x80  }
0x99: {  	[sflag:s3] =	ssyncset.done $0x0  }
0x9a: {  	[sflag:s3] =	ssyncadd.s32 $0xFFFFFF80  }
0x9b: {  	[tilespmem:s9], [sflag:$0x2] =	stream.indirect.gather [hbm4b:s4+s5], $0x10, s5, s5, $0xb8;
	[tilespmem:$0x8100] =	vst v63  }
0x9c: {  	_ = 	snop  }
0x9d: {  	[tilespmem:s10], [sflag:$0x4] =	stream.indirect.gather [hbm4b:s7+s5], $0x70, s5, s5, $0xb8;
	[tilespmem:$0x8100] =	vst v63  }
0x9e: {  	_ =	swait.ge [sflag:s11], $0x800  }
0x9f: {  	[sflag:s11] =	ssyncset.done $0x0  }
0xa0: {  	[sflag:s11] =	ssyncadd.s32 $0xFFFFF800  }
0xa1: {  	_ =	swait.ge [sflag:s12], $0x3800  }
0xa2: {  	s28 =	sshll.u32 s29, $0x1;
	[sflag:s12] =	ssyncset.done $0x0  }
0xa3: {  	s28 =	sadd.s32 s30, s28;
	[sflag:s12] =	ssyncadd.s32 $0xFFFFC800  }
0xa4: {  	[hbm4b:s28+s2] =	stream.linear.scatter [tilespmem:s6], [sflag:$0x5], $0x800, $0x38;
	[tilespmem:$0x8100] =	vst v63  }
0xa5: {  	s29 =	smul.u32 $0xE, s29;
	_ =	swait.ge [sflag:s3], $0x800  }
0xa6: {  	[sflag:s3] =	ssyncset.done $0x0  }
0xa7: {  	s29 =	sadd.s32 s0, s29;
	[sflag:s3] =	ssyncadd.s32 $0xFFFFF800  }
0xa8: {  	[hbm4b:s29+s2] =	stream.linear.scatter [tilespmem:s8], [sflag:$0x5], $0x3800, $0x38;
	[tilespmem:$0x8100] =	vst v63  }
0xa9: {  	_ =	swait.ge [sflag:s3], $0x3800  }
0xaa: {  	[sflag:s3] =	ssyncset.done $0x0  }
0xab: {  	[sflag:s3] =	ssyncadd.s32 $0xFFFFC800  }
0xac: {  	s0 =	sshll.u32 s1, $0x1;
	_ =	swait.ge [sflag:s13], $0x800  }
0xad: {  	s30 =	sadd.s32 s30, s0;
	s0 =	ssub.s32 $0x2, s31;
	[sflag:s13] =	ssyncset.done $0x0  }
0xae: {  	s31 =	sshrl.u32 s0, $0x1;
	[sflag:s13] =	ssyncadd.s32 $0xFFFFF800  }
0xaf: {  	s0 =	ssub.s32 s0, s31;
	_ =	swait.ge [sflag:s14], $0x3800  }
0xb0: {  	s0 =	smax.u32 s0, $0x1;
	[sflag:s14] =	ssyncset.done $0x0  }
0xb1: {  	s1 =	smul.u32 $0xE, s1;
	p0 =	sne.s32 s0, $0x1;
	[sflag:s14] =	ssyncadd.s32 $0xFFFFC800  }
0xb2: {  	[hbm4b:s30+s2] =	stream.linear.scatter [tilespmem:s9], [sflag:$0x5], $0x800, $0x38;
	[tilespmem:$0x8100] =	vst v63  }
.Ltmp0:
0xb3: {  	_ =	swait.ge [sflag:s3], $0x800;
	(pc) =	sbr.rel @!p0 .LBB2_2-.Ltmp0, $4  }
0xb4: {  	[sflag:s3] =	ssyncset.done $0x0;
	s31 =	rddreg [dreg:$0xa]  }
0xb5: {  	s31 =	sadd.s32 s31, s1;
	[sflag:s3] =	ssyncadd.s32 $0xFFFFF800  }
0xb6: {  	[hbm4b:s31+s2] =	stream.linear.scatter [tilespmem:s10], [sflag:$0x5], $0x3800, $0x38;
	[tilespmem:$0x8100] =	vst v63  }
0xb7: {  	s0 =	sadd.s32 $0xFFFFFFFF, s0;
	_ =	swait.ge [sflag:s3], $0x3800  }
.LBB2_1:
0xb8: {  	[sflag:s3] =	ssyncset.done $0x0  }
0xb9: {  	s1 =	rddreg [dreg:$0x2];
	[sflag:s3] =	ssyncadd.s32 $0xFFFFC800  }
0xba: {  	[tilespmem:s2], [sflag:$0x5] =	stream.linear.gather [hbm4b:s1+s2], $0x80, $0x38;
	[tilespmem:$0x8100] =	vst v63  }
0xbb: {  	_ =	swait.ge [sflag:s3], $0x80  }
0xbc: {  	[sflag:s3] =	ssyncset.done $0x0  }
0xbd: {  	[sflag:s3] =	ssyncadd.s32 $0xFFFFFF80  }
0xbe: {  	[tilespmem:s6], [sflag:$0x1] =	stream.indirect.gather [hbm4b:s4+s5], $0x10, s2, s5, $0xb8;
	[tilespmem:$0x8100] =	vst v63  }
0xbf: {  	_ = 	snop  }
0xc0: {  	[tilespmem:s8], [sflag:$0x3] =	stream.indirect.gather [hbm4b:s7+s5], $0x70, s2, s5, $0xb8;
	[tilespmem:$0x8100] =	vst v63  }
0xc1: {  	s1 =	rddreg [dreg:$0x3]  }
0xc2: {  	[tilespmem:s5], [sflag:$0x5] =	stream.linear.gather [hbm4b:s1+s2], $0x80, $0x38;
	[tilespmem:$0x8100] =	vst v63  }
0xc3: {  	_ =	swait.ge [sflag:s3], $0x80  }
0xc4: {  	[sflag:s3] =	ssyncset.done $0x0  }
0xc5: {  	[sflag:s3] =	ssyncadd.s32 $0xFFFFFF80  }
0xc6: {  	[tilespmem:s9], [sflag:$0x2] =	stream.indirect.gather [hbm4b:s4+s5], $0x10, s5, s5, $0xb8;
	[tilespmem:$0x8100] =	vst v63  }
0xc7: {  	_ = 	snop  }
0xc8: {  	[tilespmem:s10], [sflag:$0x4] =	stream.indirect.gather [hbm4b:s7+s5], $0x70, s5, s5, $0xb8;
	[tilespmem:$0x8100] =	vst v63  }
0xc9: {  	_ =	swait.ge [sflag:s11], $0x800  }
0xca: {  	[sflag:s11] =	ssyncset.done $0x0  }
0xcb: {  	[sflag:s11] =	ssyncadd.s32 $0xFFFFF800  }
0xcc: {  	_ =	swait.ge [sflag:s12], $0x3800  }
0xcd: {  	[sflag:s12] =	ssyncset.done $0x0  }
0xce: {  	s1 =	rddreg [dreg:$0x4];
	[sflag:s12] =	ssyncadd.s32 $0xFFFFC800  }
0xcf: {  	[hbm4b:s1+s2] =	stream.linear.scatter [tilespmem:s6], [sflag:$0x5], $0x800, $0x38;
	[tilespmem:$0x8100] =	vst v63  }
0xd0: {  	_ =	swait.ge [sflag:s3], $0x800  }
0xd1: {  	[sflag:s3] =	ssyncset.done $0x0  }
0xd2: {  	s1 =	rddreg [dreg:$0x5];
	[sflag:s3] =	ssyncadd.s32 $0xFFFFF800  }
0xd3: {  	[hbm4b:s1+s2] =	stream.linear.scatter [tilespmem:s8], [sflag:$0x5], $0x3800, $0x38;
	[tilespmem:$0x8100] =	vst v63  }
0xd4: {  	_ =	swait.ge [sflag:s3], $0x3800  }
0xd5: {  	[sflag:s3] =	ssyncset.done $0x0  }
0xd6: {  	s1 =	rddreg [dreg:$0x6];
	[sflag:s3] =	ssyncadd.s32 $0xFFFFC800  }
0xd7: {  	[tilespmem:s2], [sflag:$0x5] =	stream.linear.gather [hbm4b:s1+s2], $0x80, $0x38;
	[tilespmem:$0x8100] =	vst v63  }
0xd8: {  	_ =	swait.ge [sflag:s3], $0x80  }
0xd9: {  	[sflag:s3] =	ssyncset.done $0x0  }
0xda: {  	[sflag:s3] =	ssyncadd.s32 $0xFFFFFF80  }
0xdb: {  	[tilespmem:s6], [sflag:$0x1] =	stream.indirect.gather [hbm4b:s4+s5], $0x10, s2, s5, $0xb8;
	[tilespmem:$0x8100] =	vst v63  }
0xdc: {  	_ = 	snop  }
0xdd: {  	[tilespmem:s8], [sflag:$0x3] =	stream.indirect.gather [hbm4b:s7+s5], $0x70, s2, s5, $0xb8;
	[tilespmem:$0x8100] =	vst v63  }
0xde: {  	_ =	swait.ge [sflag:s13], $0x800  }
0xdf: {  	[sflag:s13] =	ssyncset.done $0x0  }
0xe0: {  	[sflag:s13] =	ssyncadd.s32 $0xFFFFF800  }
0xe1: {  	_ =	swait.ge [sflag:s14], $0x3800  }
0xe2: {  	[sflag:s14] =	ssyncset.done $0x0  }
0xe3: {  	s1 =	rddreg [dreg:$0x7];
	[sflag:s14] =	ssyncadd.s32 $0xFFFFC800  }
0xe4: {  	[hbm4b:s1+s2] =	stream.linear.scatter [tilespmem:s9], [sflag:$0x5], $0x800, $0x38;
	[tilespmem:$0x8100] =	vst v63  }
0xe5: {  	_ =	swait.ge [sflag:s3], $0x800  }
0xe6: {  	[sflag:s3] =	ssyncset.done $0x0  }
0xe7: {  	s1 =	rddreg [dreg:$0x8];
	[sflag:s3] =	ssyncadd.s32 $0xFFFFF800  }
0xe8: {  	[hbm4b:s1+s2] =	stream.linear.scatter [tilespmem:s10], [sflag:$0x5], $0x3800, $0x38;
	[tilespmem:$0x8100] =	vst v63  }
0xe9: {  	_ =	swait.ge [sflag:s3], $0x3800  }
0xea: {  	[sflag:s3] =	ssyncset.done $0x0  }
0xeb: {  	s1 =	rddreg [dreg:$0x9];
	[sflag:s3] =	ssyncadd.s32 $0xFFFFC800  }
0xec: {  	[tilespmem:s5], [sflag:$0x5] =	stream.linear.gather [hbm4b:s1+s2], $0x80, $0x38;
	[tilespmem:$0x8100] =	vst v63  }
0xed: {  	_ =	swait.ge [sflag:s3], $0x80  }
0xee: {  	[sflag:s3] =	ssyncset.done $0x0  }
0xef: {  	[sflag:s3] =	ssyncadd.s32 $0xFFFFFF80  }
0xf0: {  	[tilespmem:s9], [sflag:$0x2] =	stream.indirect.gather [hbm4b:s4+s5], $0x10, s5, s5, $0xb8;
	[tilespmem:$0x8100] =	vst v63  }
0xf1: {  	_ = 	snop  }
0xf2: {  	[tilespmem:s10], [sflag:$0x4] =	stream.indirect.gather [hbm4b:s7+s5], $0x70, s5, s5, $0xb8;
	[tilespmem:$0x8100] =	vst v63  }
0xf3: {  	_ =	swait.ge [sflag:s11], $0x800  }
0xf4: {  	[sflag:s11] =	ssyncset.done $0x0  }
0xf5: {  	[sflag:s11] =	ssyncadd.s32 $0xFFFFF800  }
0xf6: {  	_ =	swait.ge [sflag:s12], $0x3800  }
0xf7: {  	[sflag:s12] =	ssyncset.done $0x0  }
0xf8: {  	[sflag:s12] =	ssyncadd.s32 $0xFFFFC800  }
0xf9: {  	[hbm4b:s15+s2] =	stream.linear.scatter [tilespmem:s6], [sflag:$0x5], $0x800, $0x38;
	[tilespmem:$0x8100] =	vst v63  }
0xfa: {  	_ =	swait.ge [sflag:s3], $0x800  }
0xfb: {  	[sflag:s3] =	ssyncset.done $0x0  }
0xfc: {  	[sflag:s3] =	ssyncadd.s32 $0xFFFFF800  }
0xfd: {  	[hbm4b:s16+s2] =	stream.linear.scatter [tilespmem:s8], [sflag:$0x5], $0x3800, $0x38;
	[tilespmem:$0x8100] =	vst v63  }
0xfe: {  	_ =	swait.ge [sflag:s3], $0x3800  }
0xff: {  	[sflag:s3] =	ssyncset.done $0x0  }
0x100: {  	[sflag:s3] =	ssyncadd.s32 $0xFFFFC800  }
0x101: {  	[tilespmem:s2], [sflag:$0x5] =	stream.linear.gather [hbm4b:s17+s2], $0x80, $0x38;
	[tilespmem:$0x8100] =	vst v63  }
0x102: {  	_ =	swait.ge [sflag:s3], $0x80  }
0x103: {  	[sflag:s3] =	ssyncset.done $0x0  }
0x104: {  	[sflag:s3] =	ssyncadd.s32 $0xFFFFFF80  }
0x105: {  	[tilespmem:s6], [sflag:$0x1] =	stream.indirect.gather [hbm4b:s4+s5], $0x10, s2, s5, $0xb8;
	[tilespmem:$0x8100] =	vst v63  }
0x106: {  	_ = 	snop  }
0x107: {  	[tilespmem:s8], [sflag:$0x3] =	stream.indirect.gather [hbm4b:s7+s5], $0x70, s2, s5, $0xb8;
	[tilespmem:$0x8100] =	vst v63  }
0x108: {  	_ =	swait.ge [sflag:s13], $0x800  }
0x109: {  	[sflag:s13] =	ssyncset.done $0x0  }
0x10a: {  	[sflag:s13] =	ssyncadd.s32 $0xFFFFF800  }
0x10b: {  	_ =	swait.ge [sflag:s14], $0x3800  }
0x10c: {  	[sflag:s14] =	ssyncset.done $0x0  }
0x10d: {  	[sflag:s14] =	ssyncadd.s32 $0xFFFFC800  }
0x10e: {  	[hbm4b:s18+s2] =	stream.linear.scatter [tilespmem:s9], [sflag:$0x5], $0x800, $0x38;
	[tilespmem:$0x8100] =	vst v63  }
0x10f: {  	_ =	swait.ge [sflag:s3], $0x800  }
0x110: {  	[sflag:s3] =	ssyncset.done $0x0  }
0x111: {  	[sflag:s3] =	ssyncadd.s32 $0xFFFFF800  }
0x112: {  	[hbm4b:s19+s2] =	stream.linear.scatter [tilespmem:s10], [sflag:$0x5], $0x3800, $0x38;
	[tilespmem:$0x8100] =	vst v63  }
0x113: {  	_ =	swait.ge [sflag:s3], $0x3800  }
0x114: {  	[sflag:s3] =	ssyncset.done $0x0  }
0x115: {  	[sflag:s3] =	ssyncadd.s32 $0xFFFFC800  }
0x116: {  	[tilespmem:s5], [sflag:$0x5] =	stream.linear.gather [hbm4b:s20+s2], $0x80, $0x38;
	[tilespmem:$0x8100] =	vst v63  }
0x117: {  	_ =	swait.ge [sflag:s3], $0x80  }
0x118: {  	[sflag:s3] =	ssyncset.done $0x0  }
0x119: {  	[sflag:s3] =	ssyncadd.s32 $0xFFFFFF80  }
0x11a: {  	[tilespmem:s9], [sflag:$0x2] =	stream.indirect.gather [hbm4b:s4+s5], $0x10, s5, s5, $0xb8;
	[tilespmem:$0x8100] =	vst v63  }
0x11b: {  	_ = 	snop  }
0x11c: {  	[tilespmem:s10], [sflag:$0x4] =	stream.indirect.gather [hbm4b:s7+s5], $0x70, s5, s5, $0xb8;
	[tilespmem:$0x8100] =	vst v63  }
0x11d: {  	_ =	swait.ge [sflag:s11], $0x800  }
0x11e: {  	[sflag:s11] =	ssyncset.done $0x0  }
0x11f: {  	[sflag:s11] =	ssyncadd.s32 $0xFFFFF800  }
0x120: {  	_ =	swait.ge [sflag:s12], $0x3800  }
0x121: {  	[sflag:s12] =	ssyncset.done $0x0  }
0x122: {  	[sflag:s12] =	ssyncadd.s32 $0xFFFFC800  }
0x123: {  	[hbm4b:s21+s2] =	stream.linear.scatter [tilespmem:s6], [sflag:$0x5], $0x800, $0x38;
	[tilespmem:$0x8100] =	vst v63  }
0x124: {  	_ =	swait.ge [sflag:s3], $0x800  }
0x125: {  	[sflag:s3] =	ssyncset.done $0x0  }
0x126: {  	[sflag:s3] =	ssyncadd.s32 $0xFFFFF800  }
0x127: {  	[hbm4b:s22+s2] =	stream.linear.scatter [tilespmem:s8], [sflag:$0x5], $0x3800, $0x38;
	[tilespmem:$0x8100] =	vst v63  }
0x128: {  	_ =	swait.ge [sflag:s3], $0x3800  }
0x129: {  	[sflag:s3] =	ssyncset.done $0x0  }
0x12a: {  	[sflag:s3] =	ssyncadd.s32 $0xFFFFC800  }
0x12b: {  	[tilespmem:s2], [sflag:$0x5] =	stream.linear.gather [hbm4b:s23+s2], $0x80, $0x38;
	[tilespmem:$0x8100] =	vst v63  }
0x12c: {  	_ =	swait.ge [sflag:s3], $0x80  }
0x12d: {  	[sflag:s3] =	ssyncset.done $0x0  }
0x12e: {  	[sflag:s3] =	ssyncadd.s32 $0xFFFFFF80  }
0x12f: {  	[tilespmem:s6], [sflag:$0x1] =	stream.indirect.gather [hbm4b:s4+s5], $0x10, s2, s5, $0xb8;
	[tilespmem:$0x8100] =	vst v63  }
0x130: {  	_ = 	snop  }
0x131: {  	[tilespmem:s8], [sflag:$0x3] =	stream.indirect.gather [hbm4b:s7+s5], $0x70, s2, s5, $0xb8;
	[tilespmem:$0x8100] =	vst v63  }
0x132: {  	_ =	swait.ge [sflag:s13], $0x800  }
0x133: {  	[sflag:s13] =	ssyncset.done $0x0  }
0x134: {  	[sflag:s13] =	ssyncadd.s32 $0xFFFFF800  }
0x135: {  	_ =	swait.ge [sflag:s14], $0x3800  }
0x136: {  	[sflag:s14] =	ssyncset.done $0x0  }
0x137: {  	[sflag:s14] =	ssyncadd.s32 $0xFFFFC800  }
0x138: {  	[hbm4b:s24+s2] =	stream.linear.scatter [tilespmem:s9], [sflag:$0x5], $0x800, $0x38;
	[tilespmem:$0x8100] =	vst v63  }
0x139: {  	_ =	swait.ge [sflag:s3], $0x800  }
0x13a: {  	[sflag:s3] =	ssyncset.done $0x0  }
0x13b: {  	[sflag:s3] =	ssyncadd.s32 $0xFFFFF800  }
0x13c: {  	[hbm4b:s25+s2] =	stream.linear.scatter [tilespmem:s10], [sflag:$0x5], $0x3800, $0x38;
	[tilespmem:$0x8100] =	vst v63  }
0x13d: {  	_ =	swait.ge [sflag:s3], $0x3800  }
0x13e: {  	[sflag:s3] =	ssyncset.done $0x0  }
0x13f: {  	[sflag:s3] =	ssyncadd.s32 $0xFFFFC800  }
0x140: {  	[tilespmem:s5], [sflag:$0x5] =	stream.linear.gather [hbm4b:s26+s2], $0x80, $0x38;
	[tilespmem:$0x8100] =	vst v63  }
0x141: {  	_ =	swait.ge [sflag:s3], $0x80  }
0x142: {  	[sflag:s3] =	ssyncset.done $0x0  }
0x143: {  	[sflag:s3] =	ssyncadd.s32 $0xFFFFFF80  }
0x144: {  	[tilespmem:s9], [sflag:$0x2] =	stream.indirect.gather [hbm4b:s4+s5], $0x10, s5, s5, $0xb8;
	[tilespmem:$0x8100] =	vst v63  }
0x145: {  	_ = 	snop  }
0x146: {  	[tilespmem:s10], [sflag:$0x4] =	stream.indirect.gather [hbm4b:s7+s5], $0x70, s5, s5, $0xb8;
	[tilespmem:$0x8100] =	vst v63  }
0x147: {  	_ =	swait.ge [sflag:s11], $0x800  }
0x148: {  	[sflag:s11] =	ssyncset.done $0x0  }
0x149: {  	[sflag:s11] =	ssyncadd.s32 $0xFFFFF800  }
0x14a: {  	_ =	swait.ge [sflag:s12], $0x3800  }
0x14b: {  	[sflag:s12] =	ssyncset.done $0x0  }
0x14c: {  	[sflag:s12] =	ssyncadd.s32 $0xFFFFC800  }
0x14d: {  	[hbm4b:s28+s2] =	stream.linear.scatter [tilespmem:s6], [sflag:$0x5], $0x800, $0x38;
	[tilespmem:$0x8100] =	vst v63  }
0x14e: {  	_ =	swait.ge [sflag:s3], $0x800  }
0x14f: {  	[sflag:s3] =	ssyncset.done $0x0  }
0x150: {  	[sflag:s3] =	ssyncadd.s32 $0xFFFFF800  }
0x151: {  	[hbm4b:s29+s2] =	stream.linear.scatter [tilespmem:s8], [sflag:$0x5], $0x3800, $0x38;
	[tilespmem:$0x8100] =	vst v63  }
0x152: {  	_ =	swait.ge [sflag:s3], $0x3800  }
0x153: {  	[sflag:s3] =	ssyncset.done $0x0  }
0x154: {  	[sflag:s3] =	ssyncadd.s32 $0xFFFFC800  }
0x155: {  	_ =	swait.ge [sflag:s13], $0x800  }
0x156: {  	[sflag:s13] =	ssyncset.done $0x0  }
0x157: {  	[sflag:s13] =	ssyncadd.s32 $0xFFFFF800  }
0x158: {  	_ =	swait.ge [sflag:s14], $0x3800  }
0x159: {  	[sflag:s14] =	ssyncset.done $0x0  }
0x15a: {  	p0 =	sne.s32 s0, $0x1;
	[sflag:s14] =	ssyncadd.s32 $0xFFFFC800  }
0x15b: {  	[hbm4b:s30+s2] =	stream.linear.scatter [tilespmem:s9], [sflag:$0x5], $0x800, $0x38;
	[tilespmem:$0x8100] =	vst v63  }
.Ltmp1:
0x15c: {  	_ =	swait.ge [sflag:s3], $0x800;
	(pc) =	sbr.rel @p0 .LBB2_1-.Ltmp1, $4  }
0x15d: {  	[sflag:s3] =	ssyncset.done $0x0  }
0x15e: {  	[sflag:s3] =	ssyncadd.s32 $0xFFFFF800  }
0x15f: {  	[hbm4b:s31+s2] =	stream.linear.scatter [tilespmem:s10], [sflag:$0x5], $0x3800, $0x38;
	[tilespmem:$0x8100] =	vst v63  }
0x160: {  	s0 =	sadd.s32 $0xFFFFFFFF, s0;
	_ =	swait.ge [sflag:s3], $0x3800  }
.LBB2_2:
0x161: {  	[sflag:s3] =	ssyncset.done $0x0  }
0x162: {  	[sflag:s3] =	ssyncadd.s32 $0xFFFFC800  }
0x163: {  	_ =	sfence.sel $0x180000  }
0x164: {  	[bflag:$0x0] =	sbarrier.arrive $0xFFFF  }
0x165: {  	_ =	strace $0x90000047  }
0x166: {  	s0 =	stileid.u32;
	[bflag:$0x2] =	sbarrier.arrive $0xFFFF  }
0x167: {  	p0 =	sne.s32 s0, $0x0;
	s0 =	rddreg [dreg:$0x1]  }
0x168: {  	s0 =	sadd.s32 @!p0 $0x100000, s0  }
0x169: {  	[sflag:s0] =	ssyncadd.tile.s32 @!p0 $0x1;
	_ =	shalt  }
.Lfunc_end2:
_tile_overlayer_lowered:
.L_overlay_start_2:
0x16a: {  	(tag) =	ssettag $0x2  }
0x16b: {  	s0 =	rddreg [dreg:$0x0];
	s2 =	stileid.u32  }
0x16c: {  	s1 =	rddreg [dreg:$0x1];
	p0 =	sne.s32 s2, $0x0  }
0x16d: {  	s3 =	rddreg [dreg:$0x2];
	[bflag:$0x3] =	sbarrier.arrive $0xFFFF;
	s2 =	simm.s32 @!p0 $0x1C05  }
0x16e: {  	[timem:s3], [sflag:s2] =	dma.local @!p0 [hbm:s0], s1  }
0x16f: {  	s0 =	simm.s32 @!p0 $0x5  }
0x170: {  	_ =	swait.ge @!p0 [sflag:s0], s1  }
0x171: {  	s1 =	ssub.s32 @!p0 $0x0, s1;
	[sflag:s0] =	ssyncset.done @!p0 $0x0  }
0x172: {  	[sflag:s0] =	ssyncadd.s32 @!p0 s1  }
0x173: {  	[bflag:$0x3] =	sbarrier.arrive $0xFFFF  }
0x174: {  	_ =	shalt  }

</sc_bundles>
